<compile_context>
chip_gen: v7x
topology: tpu7x:2x2x1
jax: 0.10.2.dev20260603
libtpu: 0.0.44.dev20260713+nightly
codegen_flags: <defaults>
</compile_context>

<pallas_src>
import functools

import jax
import jax.numpy as jnp
from jax import lax
from jax.experimental import pallas as pl
from jax.experimental.pallas import tpu as pltpu
from jax.experimental.pallas import tpu_sc as plsc

_N = 10000
_E = 320000
_D = 128
_OUT = 40

_NC = 2
_NS = 16
_NW = _NC * _NS
_CHUNK = 128
_STEPS = 82
_EP = _NW * _STEPS * _CHUNK
_NP = 10240
_ACHUNK = 128
_ASTEPS = 82
_AEP = _NW * _ASTEPS * _ACHUNK
_NPA = 10240
_RPTA = _NPA // _NS

_BLK = 1024
_GRID = _NP // _BLK

_sc_mesh = plsc.VectorSubcoreMesh(
    core_axis_name="c", subcore_axis_name="s", num_cores=_NC, num_subcores=_NS)



@functools.partial(
    pl.kernel,
    out_type=jax.ShapeDtypeStruct((_NW * _NP,), jnp.float32),
    mesh=_sc_mesh,
    scratch_types=[
        pltpu.VMEM((_STEPS * _CHUNK,), jnp.int32),
        pltpu.VMEM((_NP,), jnp.float32),
    ],
    compiler_params=pltpu.CompilerParams(needs_layout_passes=False),
)
def _deg_sc(dsts_hbm, zeros_hbm, out_hbm, dst_v, deg_l):
    c = lax.axis_index("c")
    s = lax.axis_index("s")
    w = c * _NS + s
    pltpu.sync_copy(zeros_hbm, deg_l)
    pltpu.sync_copy(dsts_hbm.at[w], dst_v)
    ones = jnp.ones((16,), jnp.float32)

    @pl.loop(0, _STEPS * _CHUNK // 16)
    def _(j):
        idx = dst_v[pl.ds(j * 16, 16)]
        plsc.addupdate_scatter(deg_l, [idx], ones)

    pltpu.sync_copy(deg_l, out_hbm.at[pl.ds(w * _NP, _NP)])


@functools.partial(
    pl.kernel,
    out_type=jax.ShapeDtypeStruct((_NC * _NPA, _D), jnp.float32),
    mesh=_sc_mesh,
    scratch_types=[
        pltpu.VMEM((_ASTEPS, _ACHUNK), jnp.int32),
        pltpu.VMEM((_ASTEPS, _ACHUNK), jnp.int32),
        pltpu.VMEM((_ACHUNK, _D), jnp.float32),
        pltpu.SemaphoreType.DMA,
        pltpu.VMEM_SHARED((_NPA, _D), jnp.float32),
    ],
)
def _agg_sc(z_hbm, srcs_hbm, dsts_hbm, zeros_hbm, out_hbm,
            sidx, didx, rows_v, sem, acc_sh):
    c = lax.axis_index("c")
    s = lax.axis_index("s")
    w = c * _NS + s
    pltpu.sync_copy(srcs_hbm.at[w], sidx)
    pltpu.sync_copy(dsts_hbm.at[w], didx)
    pltpu.sync_copy(zeros_hbm.at[pl.ds(s * _RPTA, _RPTA)],
                    acc_sh.at[pl.ds(s * _RPTA, _RPTA)])
    plsc.subcore_barrier()

    @pl.loop(0, _ASTEPS)
    def _(j):
        pltpu.async_copy(z_hbm.at[sidx.at[j]], rows_v, sem).wait()
        pltpu.sync_copy(rows_v, acc_sh.at[didx.at[j]], add=True)

    plsc.subcore_barrier()
    pltpu.sync_copy(acc_sh.at[pl.ds(s * _RPTA, _RPTA)],
                    out_hbm.at[pl.ds(c * _NPA + s * _RPTA, _RPTA)])



_DINV_SPEC = pl.BlockSpec((_BLK, _D), lambda i: (i, 0))


def _tc_dinv(deg2):
    def body(d_ref, o_ref):
        deg = jnp.sum(d_ref[...], axis=0)
        dinv = jnp.where(deg > 0, lax.rsqrt(deg), 0.0)
        o_ref[...] = jnp.broadcast_to(dinv, (_BLK, _D))

    return pl.pallas_call(
        body,
        grid=(_GRID,),
        in_specs=[pl.BlockSpec((_NW, _BLK, 1), lambda i: (0, i, 0))],
        out_specs=pl.BlockSpec((_BLK, _D), lambda i: (i, 0)),
        out_shape=jax.ShapeDtypeStruct((_NP, _D), jnp.float32),
    )(deg2)


def _tc_first(x, W1, dinv_b):
    def body(x_ref, w_ref, d_ref, o_ref):
        h = jnp.dot(x_ref[...], w_ref[...], preferred_element_type=jnp.float32)
        o_ref[...] = h * d_ref[...]

    return pl.pallas_call(
        body,
        grid=(_GRID,),
        in_specs=[
            pl.BlockSpec((_BLK, _D), lambda i: (i, 0)),
            pl.BlockSpec((_D, _D), lambda i: (0, 0)),
            _DINV_SPEC,
        ],
        out_specs=pl.BlockSpec((_BLK, _D), lambda i: (i, 0)),
        out_shape=jax.ShapeDtypeStruct((_N, _D), jnp.float32),
    )(x, W1, dinv_b)


def _tc_mid(acc, dinv_b, b, g, be, W):
    def body(a0_ref, a1_ref, d_ref, b_ref, g_ref, be_ref, w_ref, o_ref):
        dinv = d_ref[...]
        agg = a0_ref[0] + a1_ref[0]
        y = agg * dinv + b_ref[...]
        y = jnp.maximum(y, 0.0)
        mu = jnp.mean(y, axis=-1, keepdims=True)
        yc = y - mu
        var = jnp.mean(yc * yc, axis=-1, keepdims=True)
        yn = yc * lax.rsqrt(var + 1e-5) * g_ref[...] + be_ref[...]
        o_ref[...] = jnp.dot(yn, w_ref[...],
                             preferred_element_type=jnp.float32) * dinv

    return pl.pallas_call(
        body,
        grid=(_GRID,),
        in_specs=[
            pl.BlockSpec((1, _BLK, _D), lambda i: (0, i, 0)),
            pl.BlockSpec((1, _BLK, _D), lambda i: (1, i, 0)),
            _DINV_SPEC,
            pl.BlockSpec((1, _D), lambda i: (0, 0)),
            pl.BlockSpec((1, _D), lambda i: (0, 0)),
            pl.BlockSpec((1, _D), lambda i: (0, 0)),
            pl.BlockSpec((_D, _D), lambda i: (0, 0)),
        ],
        out_specs=pl.BlockSpec((_BLK, _D), lambda i: (i, 0)),
        out_shape=jax.ShapeDtypeStruct((_N, _D), jnp.float32),
    )(acc, acc, dinv_b, b, g, be, W)


def _tc_last(acc, dinv_b, b3, pW1, pb1, pW2, pb2):
    def body(a0_ref, a1_ref, d_ref, b3_ref, pw1_ref, pb1_ref,
             pw2_ref, pb2_ref, emb_ref, out_ref):
        dinv = d_ref[...]
        agg = a0_ref[0] + a1_ref[0]
        e = agg * dinv + b3_ref[...]
        emb_ref[...] = e
        h = jnp.maximum(e, 0.0)
        h = jnp.dot(h, pw1_ref[...],
                    preferred_element_type=jnp.float32) + pb1_ref[...]
        o = jnp.dot(h, pw2_ref[...],
                    preferred_element_type=jnp.float32) + pb2_ref[...]
        m = jnp.max(o, axis=-1, keepdims=True)
        lse = jnp.log(jnp.sum(jnp.exp(o - m), axis=-1, keepdims=True))
        out_ref[...] = o - m - lse

    return pl.pallas_call(
        body,
        grid=(_GRID,),
        in_specs=[
            pl.BlockSpec((1, _BLK, _D), lambda i: (0, i, 0)),
            pl.BlockSpec((1, _BLK, _D), lambda i: (1, i, 0)),
            _DINV_SPEC,
            pl.BlockSpec((1, _D), lambda i: (0, 0)),
            pl.BlockSpec((_D, _D), lambda i: (0, 0)),
            pl.BlockSpec((1, _D), lambda i: (0, 0)),
            pl.BlockSpec((_D, _OUT), lambda i: (0, 0)),
            pl.BlockSpec((1, _OUT), lambda i: (0, 0)),
        ],
        out_specs=[
            pl.BlockSpec((_BLK, _D), lambda i: (i, 0)),
            pl.BlockSpec((_BLK, _OUT), lambda i: (i, 0)),
        ],
        out_shape=[
            jax.ShapeDtypeStruct((_N, _D), jnp.float32),
            jax.ShapeDtypeStruct((_N, _OUT), jnp.float32),
        ],
    )(acc, acc, dinv_b, b3, pW1, pb1, pW2, pb2)



def kernel(x, edge_index, W1, b1, W2, b2, W3, b3, g1, be1, g2, be2,
           pW1, pb1, pW2, pb2):
    loop = jnp.arange(_N, dtype=jnp.int32)
    src = jnp.concatenate([edge_index[0].astype(jnp.int32), loop])
    dst = jnp.concatenate([edge_index[1].astype(jnp.int32), loop])
    npad = _EP - dst.shape[0]
    dstsf = jnp.concatenate(
        [dst, jnp.full((npad,), _N, jnp.int32)]).reshape(_NW, _STEPS * _CHUNK)
    apad = _AEP - src.shape[0]
    src_a = jnp.concatenate([src, jnp.zeros((apad,), jnp.int32)])
    dst_a = jnp.concatenate([dst, jnp.full((apad,), _N, jnp.int32)])
    srcs3 = src_a.reshape(-1, _NW).T.reshape(_NW, _ASTEPS, _ACHUNK)
    dsts3 = dst_a.reshape(-1, _NW).T.reshape(_NW, _ASTEPS, _ACHUNK)

    zeros_deg = jnp.zeros((_NP,), jnp.float32)
    zeros_acc = jnp.zeros((_NPA, _D), jnp.float32)
    b1r = b1.reshape(1, _D)
    b2r = b2.reshape(1, _D)
    b3r = b3.reshape(1, _D)
    g1r = g1.reshape(1, _D)
    be1r = be1.reshape(1, _D)
    g2r = g2.reshape(1, _D)
    be2r = be2.reshape(1, _D)
    pb1r = pb1.reshape(1, _D)
    pb2r = pb2.reshape(1, _OUT)

    deg2 = _deg_sc(dstsf, zeros_deg).reshape(_NW, _NP, 1)
    dinv_b = _tc_dinv(deg2)
    z0 = _tc_first(x, W1, dinv_b)
    a0 = _agg_sc(z0, srcs3, dsts3, zeros_acc).reshape(_NC, _NPA, _D)
    z1 = _tc_mid(a0, dinv_b, b1r, g1r, be1r, W2)
    a1 = _agg_sc(z1, srcs3, dsts3, zeros_acc).reshape(_NC, _NPA, _D)
    z2 = _tc_mid(a1, dinv_b, b2r, g2r, be2r, W3)
    a2 = _agg_sc(z2, srcs3, dsts3, zeros_acc).reshape(_NC, _NPA, _D)
    emb, out = _tc_last(a2, dinv_b, b3r, pW1, pb1r, pW2, pb2r)
    return emb, out

# --- scband reference (transcript-rebuilt; emitter-appended) ---
"""Pipeline reference for scband-gnnstack-71262097375399 (READ-ONLY COPY).

The authoritative reference and input builder live on the scoring server;
editing this copy changes nothing except your own understanding.
"""

import jax, jax.numpy as jnp
import numpy as np

N = 10000
E = 320000
D_IN = 128
H1 = 128
H2 = 128
OUT = 40


def setup_inputs(seed: int = 0) -> dict:
    key = jax.random.key(seed)
    ks = jax.random.split(key, 20)
    x = jax.random.normal(ks[0], (N, D_IN), dtype=jnp.float32)
    edge_index = jax.random.randint(ks[1], (2, E), 0, N).astype(jnp.int64)
    def glorot(k, fan_in, fan_out):
        s = float(np.sqrt(6.0 / (fan_in + fan_out)))
        return jax.random.uniform(k, (fan_in, fan_out), jnp.float32, -s, s)
    W1 = glorot(ks[2], D_IN, H1); b1 = jnp.zeros((H1,), jnp.float32)
    W2 = glorot(ks[3], H1, H2);  b2 = jnp.zeros((H2,), jnp.float32)
    W3 = glorot(ks[4], H2, H2);  b3 = jnp.zeros((H2,), jnp.float32)
    g1 = jnp.ones((H1,), jnp.float32); be1 = jnp.zeros((H1,), jnp.float32)
    g2 = jnp.ones((H2,), jnp.float32); be2 = jnp.zeros((H2,), jnp.float32)
    pW1 = glorot(ks[5], H2, H2); pb1 = jnp.zeros((H2,), jnp.float32)
    pW2 = glorot(ks[6], H2, OUT); pb2 = jnp.zeros((OUT,), jnp.float32)
    return {"x": x, "edge_index": edge_index,
            "W1": W1, "b1": b1, "W2": W2, "b2": b2, "W3": W3, "b3": b3,
            "g1": g1, "be1": be1, "g2": g2, "be2": be2,
            "pW1": pW1, "pb1": pb1, "pW2": pW2, "pb2": pb2}


def _gcn_conv(x, src, dst, norm, W, b):
    h = x @ W
    msg = h[src] * norm[:, None]
    out = jnp.zeros((N, W.shape[1]), x.dtype).at[dst].add(msg)
    return out + b


def _layer_norm(x, g, b, eps=1e-5):
    mu = jnp.mean(x, axis=-1, keepdims=True)
    var = jnp.mean((x - mu) ** 2, axis=-1, keepdims=True)
    return (x - mu) / jnp.sqrt(var + eps) * g + b


def reference(x, edge_index, W1, b1, W2, b2, W3, b3, g1, be1, g2, be2, pW1, pb1, pW2, pb2):
    # GCN normalization with self-loops (symmetric), matching pyg_nn.GCNConv defaults
    loop = jnp.arange(N, dtype=edge_index.dtype)
    src = jnp.concatenate([edge_index[0], loop])
    dst = jnp.concatenate([edge_index[1], loop])
    deg = jnp.zeros((N,), x.dtype).at[dst].add(1.0)
    dinv = jnp.where(deg > 0, 1.0 / jnp.sqrt(deg), 0.0)
    norm = dinv[src] * dinv[dst]

    # layer 0
    h = _gcn_conv(x, src, dst, norm, W1, b1)
    h = jax.nn.relu(h)
    h = _layer_norm(h, g1, be1)
    # layer 1
    h = _gcn_conv(h, src, dst, norm, W2, b2)
    h = jax.nn.relu(h)
    h = _layer_norm(h, g2, be2)
    # layer 2 (last)
    h = _gcn_conv(h, src, dst, norm, W3, b3)
    emb = h
    h = jax.nn.relu(h)
    # post message-passing MLP
    h = h @ pW1 + pb1
    h = h @ pW2 + pb2
    return (emb, jax.nn.log_softmax(h, axis=1))

if __name__ == "__main__":
    import jax
    _d = setup_inputs()
    print(jax.jit(kernel)(*tuple(_d.values())))

</pallas_src>

<mosaic_0001>
#map = affine_map<(d0, d1) -> (0, 0)>
#map1 = affine_map<(d0, d1) -> (0, 0, 0)>
module attributes {stable_mosaic.version = 14 : i64} {
  func.func @_agg_sc(%arg0: i32, %arg1: i32, %arg2: memref<10000x128xf32, #tpu.memory_space<hbm>>, %arg3: memref<32x82x128xi32, #tpu.memory_space<hbm>>, %arg4: memref<32x82x128xi32, #tpu.memory_space<hbm>>, %arg5: memref<10240x128xf32, #tpu.memory_space<hbm>>, %arg6: memref<20480x128xf32, #tpu.memory_space<hbm>>, %arg7: memref<82x128xi32, #tpu.memory_space<vmem>>, %arg8: memref<82x128xi32, #tpu.memory_space<vmem>>, %arg9: memref<128x128xf32, #tpu.memory_space<vmem>>, %arg10: memref<!tpu.dma_semaphore, #tpu.memory_space<semaphore_mem>>, %arg11: memref<10240x128xf32, #tpu.memory_space<vmem_shared>>) attributes {dimension_semantics = [#tpu.dimension_semantics<core_parallel>, #tpu.dimension_semantics<subcore_parallel>], iteration_bounds = array<i64: 2, 16>, scalar_prefetch = 0 : i64, scratch_operands = 5 : i64, tpu.core_type = #tpu.core_type<sc_vector_subcore>, window_params = [{transform_indices = #map}, {transform_indices = #map1}, {transform_indices = #map1}, {transform_indices = #map}, {transform_indices = #map}]} {
    %mul3A = arith.constant 16 : i32
    %mul3A_0 = arith.muli %arg0, %mul3A : i32
    %add3A = arith.addi %mul3A_0, %arg1 : i32
    "tpu.region"() ({
      %run_scoped3A = tpu.sem_alloc : memref<!tpu.dma_semaphore, #tpu.memory_space<semaphore_mem>>
      %dma_start3A = arith.constant 0 : i32
      %dma_start3A_17 = arith.constant 0 : i32
      %dma_start3A_18 = tpu.memref_slice %arg3[%add3A, %dma_start3A, %dma_start3A_17] : memref<32x82x128xi32, #tpu.memory_space<hbm>> -> memref<1x82x128xi32, #tpu.memory_space<hbm>>
      %dma_start3A_19 = tpu.memref_squeeze %dma_start3A_18 : memref<1x82x128xi32, #tpu.memory_space<hbm>> -> memref<82x128xi32, #tpu.memory_space<hbm>>
      %dma_start3A_20 = arith.constant 0 : i32
      %dma_start3A_21 = arith.constant 0 : i32
      %dma_start3A_22 = tpu.memref_slice %arg3[%add3A, %dma_start3A_20, %dma_start3A_21] : memref<32x82x128xi32, #tpu.memory_space<hbm>> -> memref<1x82x128xi32, #tpu.memory_space<hbm>>
      %dma_start3A_23 = tpu.memref_squeeze %dma_start3A_22 : memref<1x82x128xi32, #tpu.memory_space<hbm>> -> memref<82x128xi32, #tpu.memory_space<hbm>>
      tpu.enqueue_dma source(%dma_start3A_23 : memref<82x128xi32, #tpu.memory_space<hbm>>) target(%arg7 : memref<82x128xi32, #tpu.memory_space<vmem>>) target_semaphore(%run_scoped3A : memref<!tpu.dma_semaphore, #tpu.memory_space<semaphore_mem>>)
      %dma_wait3A = arith.constant 0 : i32
      %dma_wait3A_24 = arith.constant 0 : i32
      %dma_wait3A_25 = tpu.memref_slice %arg3[%add3A, %dma_wait3A, %dma_wait3A_24] : memref<32x82x128xi32, #tpu.memory_space<hbm>> -> memref<1x82x128xi32, #tpu.memory_space<hbm>>
      %dma_wait3A_26 = tpu.memref_squeeze %dma_wait3A_25 : memref<1x82x128xi32, #tpu.memory_space<hbm>> -> memref<82x128xi32, #tpu.memory_space<hbm>>
      %dma_wait3A_27 = arith.constant 0 : i32
      %dma_wait3A_28 = arith.constant 0 : i32
      %dma_wait3A_29 = tpu.memref_slice %arg3[%add3A, %dma_wait3A_27, %dma_wait3A_28] : memref<32x82x128xi32, #tpu.memory_space<hbm>> -> memref<1x82x128xi32, #tpu.memory_space<hbm>>
      %dma_wait3A_30 = tpu.memref_squeeze %dma_wait3A_29 : memref<1x82x128xi32, #tpu.memory_space<hbm>> -> memref<82x128xi32, #tpu.memory_space<hbm>>
      tpu.wait_dma2 semaphore(%run_scoped3A : memref<!tpu.dma_semaphore, #tpu.memory_space<semaphore_mem>>) src(%dma_wait3A_30 : memref<82x128xi32, #tpu.memory_space<hbm>>) dst(%arg7 : memref<82x128xi32, #tpu.memory_space<vmem>>)
      tpu.yield
    }) : () -> ()
    "tpu.region"() ({
      %run_scoped3A = tpu.sem_alloc : memref<!tpu.dma_semaphore, #tpu.memory_space<semaphore_mem>>
      %dma_start3A = arith.constant 0 : i32
      %dma_start3A_17 = arith.constant 0 : i32
      %dma_start3A_18 = tpu.memref_slice %arg4[%add3A, %dma_start3A, %dma_start3A_17] : memref<32x82x128xi32, #tpu.memory_space<hbm>> -> memref<1x82x128xi32, #tpu.memory_space<hbm>>
      %dma_start3A_19 = tpu.memref_squeeze %dma_start3A_18 : memref<1x82x128xi32, #tpu.memory_space<hbm>> -> memref<82x128xi32, #tpu.memory_space<hbm>>
      %dma_start3A_20 = arith.constant 0 : i32
      %dma_start3A_21 = arith.constant 0 : i32
      %dma_start3A_22 = tpu.memref_slice %arg4[%add3A, %dma_start3A_20, %dma_start3A_21] : memref<32x82x128xi32, #tpu.memory_space<hbm>> -> memref<1x82x128xi32, #tpu.memory_space<hbm>>
      %dma_start3A_23 = tpu.memref_squeeze %dma_start3A_22 : memref<1x82x128xi32, #tpu.memory_space<hbm>> -> memref<82x128xi32, #tpu.memory_space<hbm>>
      tpu.enqueue_dma source(%dma_start3A_23 : memref<82x128xi32, #tpu.memory_space<hbm>>) target(%arg8 : memref<82x128xi32, #tpu.memory_space<vmem>>) target_semaphore(%run_scoped3A : memref<!tpu.dma_semaphore, #tpu.memory_space<semaphore_mem>>)
      %dma_wait3A = arith.constant 0 : i32
      %dma_wait3A_24 = arith.constant 0 : i32
      %dma_wait3A_25 = tpu.memref_slice %arg4[%add3A, %dma_wait3A, %dma_wait3A_24] : memref<32x82x128xi32, #tpu.memory_space<hbm>> -> memref<1x82x128xi32, #tpu.memory_space<hbm>>
      %dma_wait3A_26 = tpu.memref_squeeze %dma_wait3A_25 : memref<1x82x128xi32, #tpu.memory_space<hbm>> -> memref<82x128xi32, #tpu.memory_space<hbm>>
      %dma_wait3A_27 = arith.constant 0 : i32
      %dma_wait3A_28 = arith.constant 0 : i32
      %dma_wait3A_29 = tpu.memref_slice %arg4[%add3A, %dma_wait3A_27, %dma_wait3A_28] : memref<32x82x128xi32, #tpu.memory_space<hbm>> -> memref<1x82x128xi32, #tpu.memory_space<hbm>>
      %dma_wait3A_30 = tpu.memref_squeeze %dma_wait3A_29 : memref<1x82x128xi32, #tpu.memory_space<hbm>> -> memref<82x128xi32, #tpu.memory_space<hbm>>
      tpu.wait_dma2 semaphore(%run_scoped3A : memref<!tpu.dma_semaphore, #tpu.memory_space<semaphore_mem>>) src(%dma_wait3A_30 : memref<82x128xi32, #tpu.memory_space<hbm>>) dst(%arg8 : memref<82x128xi32, #tpu.memory_space<vmem>>)
      tpu.yield
    }) : () -> ()
    %mul3A_1 = arith.constant 640 : i32
    %mul3A_2 = arith.muli %arg1, %mul3A_1 : i32
    %mul3A_3 = arith.constant 640 : i32
    %mul3A_4 = arith.muli %arg1, %mul3A_3 : i32
    "tpu.region"() ({
      %run_scoped3A = tpu.sem_alloc : memref<!tpu.dma_semaphore, #tpu.memory_space<semaphore_mem>>
      %dma_start3A = arith.constant 0 : i32
      %dma_start3A_17 = tpu.memref_slice %arg11[%mul3A_4, %dma_start3A] : memref<10240x128xf32, #tpu.memory_space<vmem_shared>> -> memref<640x128xf32, #tpu.memory_space<vmem_shared>>
      %dma_start3A_18 = arith.constant 0 : i32
      %dma_start3A_19 = tpu.memref_slice %arg5[%mul3A_2, %dma_start3A_18] : memref<10240x128xf32, #tpu.memory_space<hbm>> -> memref<640x128xf32, #tpu.memory_space<hbm>>
      tpu.enqueue_dma source(%dma_start3A_19 : memref<640x128xf32, #tpu.memory_space<hbm>>) target(%dma_start3A_17 : memref<640x128xf32, #tpu.memory_space<vmem_shared>>) target_semaphore(%run_scoped3A : memref<!tpu.dma_semaphore, #tpu.memory_space<semaphore_mem>>)
      %dma_wait3A = arith.constant 0 : i32
      %dma_wait3A_20 = tpu.memref_slice %arg11[%mul3A_4, %dma_wait3A] : memref<10240x128xf32, #tpu.memory_space<vmem_shared>> -> memref<640x128xf32, #tpu.memory_space<vmem_shared>>
      %dma_wait3A_21 = arith.constant 0 : i32
      %dma_wait3A_22 = tpu.memref_slice %arg5[%mul3A_2, %dma_wait3A_21] : memref<10240x128xf32, #tpu.memory_space<hbm>> -> memref<640x128xf32, #tpu.memory_space<hbm>>
      tpu.wait_dma2 semaphore(%run_scoped3A : memref<!tpu.dma_semaphore, #tpu.memory_space<semaphore_mem>>) src(%dma_wait3A_22 : memref<640x128xf32, #tpu.memory_space<hbm>>) dst(%dma_wait3A_20 : memref<640x128xf32, #tpu.memory_space<vmem_shared>>)
      tpu.yield
    }) : () -> ()
    %barrier3A = arith.constant 0 : index
    tpu.barrier barrier_id(%barrier3A)
    %scan3A = arith.constant 0 : i32
    %scan3A_5 = arith.constant 82 : i32
    %scan3A_6 = arith.addi %scan3A, %scan3A_5 : i32
    %scan3A_7 = arith.constant 1 : i32
    scf.for %scan3A_17 = %scan3A to %scan3A_6 step %scan3A_7  : i32 {
      %mul3A_18 = arith.constant 1 : i32
      %mul3A_19 = arith.muli %scan3A_17, %mul3A_18 : i32
      %add3A_20 = arith.constant 0 : i32
      %add3A_21 = arith.addi %add3A_20, %mul3A_19 : i32
      %dma_start3A = arith.constant 0 : i32
      %dma_start3A_22 = tpu.memref_slice %arg7[%add3A_21, %dma_start3A] : memref<82x128xi32, #tpu.memory_space<vmem>> -> memref<1x128xi32, #tpu.memory_space<vmem>>
      %dma_start3A_23 = tpu.memref_squeeze %dma_start3A_22 : memref<1x128xi32, #tpu.memory_space<vmem>> -> memref<128xi32, #tpu.memory_space<vmem>>
      %dma_start3A_24 = arith.constant 0 : i32
      %dma_start3A_25 = arith.constant 0 : i32
      %dma_start3A_26 = tpu.memref_slice %arg2[%dma_start3A_24, %dma_start3A_25] : memref<10000x128xf32, #tpu.memory_space<hbm>> -> memref<10000x128xf32, #tpu.memory_space<hbm>>
      tpu.enqueue_indirect_dma source(%dma_start3A_26 : memref<10000x128xf32, #tpu.memory_space<hbm>>) target(%arg9 : memref<128x128xf32, #tpu.memory_space<vmem>>) offsets(%dma_start3A_23 : memref<128xi32, #tpu.memory_space<vmem>>) semaphore(%arg10 : memref<!tpu.dma_semaphore, #tpu.memory_space<semaphore_mem>>)
      %dma_wait3A = arith.constant 0 : i32
      %dma_wait3A_27 = tpu.memref_slice %arg7[%add3A_21, %dma_wait3A] : memref<82x128xi32, #tpu.memory_space<vmem>> -> memref<1x128xi32, #tpu.memory_space<vmem>>
      %dma_wait3A_28 = tpu.memref_squeeze %dma_wait3A_27 : memref<1x128xi32, #tpu.memory_space<vmem>> -> memref<128xi32, #tpu.memory_space<vmem>>
      %dma_wait3A_29 = arith.constant 0 : i32
      %dma_wait3A_30 = arith.constant 0 : i32
      %dma_wait3A_31 = tpu.memref_slice %arg2[%dma_wait3A_29, %dma_wait3A_30] : memref<10000x128xf32, #tpu.memory_space<hbm>> -> memref<10000x128xf32, #tpu.memory_space<hbm>>
      tpu.wait_indirect_dma semaphore(%arg10 : memref<!tpu.dma_semaphore, #tpu.memory_space<semaphore_mem>>) src(%dma_wait3A_31 : memref<10000x128xf32, #tpu.memory_space<hbm>>) dst(%arg9 : memref<128x128xf32, #tpu.memory_space<vmem>>)
      "tpu.region"() ({
        %run_scoped3A = tpu.sem_alloc : memref<!tpu.dma_semaphore, #tpu.memory_space<semaphore_mem>>
        %dma_start3A_32 = arith.constant 0 : i32
        %dma_start3A_33 = tpu.memref_slice %arg8[%add3A_21, %dma_start3A_32] : memref<82x128xi32, #tpu.memory_space<vmem>> -> memref<1x128xi32, #tpu.memory_space<vmem>>
        %dma_start3A_34 = tpu.memref_squeeze %dma_start3A_33 : memref<1x128xi32, #tpu.memory_space<vmem>> -> memref<128xi32, #tpu.memory_space<vmem>>
        %dma_start3A_35 = arith.constant 0 : i32
        %dma_start3A_36 = arith.constant 0 : i32
        %dma_start3A_37 = tpu.memref_slice %arg11[%dma_start3A_35, %dma_start3A_36] : memref<10240x128xf32, #tpu.memory_space<vmem_shared>> -> memref<10240x128xf32, #tpu.memory_space<vmem_shared>>
        tpu.enqueue_indirect_dma source(%arg9 : memref<128x128xf32, #tpu.memory_space<vmem>>) target(%dma_start3A_37 : memref<10240x128xf32, #tpu.memory_space<vmem_shared>>) offsets(%dma_start3A_34 : memref<128xi32, #tpu.memory_space<vmem>>) semaphore(%run_scoped3A : memref<!tpu.dma_semaphore, #tpu.memory_space<semaphore_mem>>) {add = true}
        %dma_wait3A_38 = arith.constant 0 : i32
        %dma_wait3A_39 = tpu.memref_slice %arg8[%add3A_21, %dma_wait3A_38] : memref<82x128xi32, #tpu.memory_space<vmem>> -> memref<1x128xi32, #tpu.memory_space<vmem>>
        %dma_wait3A_40 = tpu.memref_squeeze %dma_wait3A_39 : memref<1x128xi32, #tpu.memory_space<vmem>> -> memref<128xi32, #tpu.memory_space<vmem>>
        %dma_wait3A_41 = arith.constant 0 : i32
        %dma_wait3A_42 = arith.constant 0 : i32
        %dma_wait3A_43 = tpu.memref_slice %arg11[%dma_wait3A_41, %dma_wait3A_42] : memref<10240x128xf32, #tpu.memory_space<vmem_shared>> -> memref<10240x128xf32, #tpu.memory_space<vmem_shared>>
        tpu.wait_indirect_dma semaphore(%run_scoped3A : memref<!tpu.dma_semaphore, #tpu.memory_space<semaphore_mem>>) src(%arg9 : memref<128x128xf32, #tpu.memory_space<vmem>>) dst(%dma_wait3A_43 : memref<10240x128xf32, #tpu.memory_space<vmem_shared>>)
        tpu.yield
      }) : () -> ()
    }
    %scan3A_8 = arith.constant 82 : i32
    %barrier3A_9 = arith.constant 0 : index
    tpu.barrier barrier_id(%barrier3A_9)
    %mul3A_10 = arith.constant 640 : i32
    %mul3A_11 = arith.muli %arg1, %mul3A_10 : i32
    %mul3A_12 = arith.constant 10240 : i32
    %mul3A_13 = arith.muli %arg0, %mul3A_12 : i32
    %mul3A_14 = arith.constant 640 : i32
    %mul3A_15 = arith.muli %arg1, %mul3A_14 : i32
    %add3A_16 = arith.addi %mul3A_13, %mul3A_15 : i32
    "tpu.region"() ({
      %run_scoped3A = tpu.sem_alloc : memref<!tpu.dma_semaphore, #tpu.memory_space<semaphore_mem>>
      %dma_start3A = arith.constant 0 : i32
      %dma_start3A_17 = tpu.memref_slice %arg6[%add3A_16, %dma_start3A] : memref<20480x128xf32, #tpu.memory_space<hbm>> -> memref<640x128xf32, #tpu.memory_space<hbm>>
      %dma_start3A_18 = arith.constant 0 : i32
      %dma_start3A_19 = tpu.memref_slice %arg11[%mul3A_11, %dma_start3A_18] : memref<10240x128xf32, #tpu.memory_space<vmem_shared>> -> memref<640x128xf32, #tpu.memory_space<vmem_shared>>
      tpu.enqueue_dma source(%dma_start3A_19 : memref<640x128xf32, #tpu.memory_space<vmem_shared>>) target(%dma_start3A_17 : memref<640x128xf32, #tpu.memory_space<hbm>>) target_semaphore(%run_scoped3A : memref<!tpu.dma_semaphore, #tpu.memory_space<semaphore_mem>>)
      %dma_wait3A = arith.constant 0 : i32
      %dma_wait3A_20 = tpu.memref_slice %arg6[%add3A_16, %dma_wait3A] : memref<20480x128xf32, #tpu.memory_space<hbm>> -> memref<640x128xf32, #tpu.memory_space<hbm>>
      %dma_wait3A_21 = arith.constant 0 : i32
      %dma_wait3A_22 = tpu.memref_slice %arg11[%mul3A_11, %dma_wait3A_21] : memref<10240x128xf32, #tpu.memory_space<vmem_shared>> -> memref<640x128xf32, #tpu.memory_space<vmem_shared>>
      tpu.wait_dma2 semaphore(%run_scoped3A : memref<!tpu.dma_semaphore, #tpu.memory_space<semaphore_mem>>) src(%dma_wait3A_22 : memref<640x128xf32, #tpu.memory_space<vmem_shared>>) dst(%dma_wait3A_20 : memref<640x128xf32, #tpu.memory_space<hbm>>)
      tpu.yield
    }) : () -> ()
    return
  }
}

#map = affine_map<(d0, d1) -> (0, 0)>
#map1 = affine_map<(d0, d1) -> (0, 0, 0)>
module attributes {stable_mosaic.version = 14 : i64} {
  func.func @_agg_sc(%arg0: i32, %arg1: i32, %arg2: memref<10000x128xf32, #tpu.memory_space<hbm>>, %arg3: memref<32x82x128xi32, #tpu.memory_space<hbm>>, %arg4: memref<32x82x128xi32, #tpu.memory_space<hbm>>, %arg5: memref<10240x128xf32, #tpu.memory_space<hbm>>, %arg6: memref<20480x128xf32, #tpu.memory_space<hbm>>, %arg7: memref<82x128xi32, #tpu.memory_space<vmem>>, %arg8: memref<82x128xi32, #tpu.memory_space<vmem>>, %arg9: memref<128x128xf32, #tpu.memory_space<vmem>>, %arg10: memref<!tpu.dma_semaphore, #tpu.memory_space<semaphore_mem>>, %arg11: memref<10240x128xf32, #tpu.memory_space<vmem_shared>>) attributes {dimension_semantics = [#tpu.dimension_semantics<core_parallel>, #tpu.dimension_semantics<subcore_parallel>], iteration_bounds = array<i64: 2, 16>, scalar_prefetch = 0 : i64, scratch_operands = 5 : i64, tpu.core_type = #tpu.core_type<sc_vector_subcore>, window_params = [{transform_indices = #map}, {transform_indices = #map1}, {transform_indices = #map1}, {transform_indices = #map}, {transform_indices = #map}]} {
    %mul3A = arith.constant 16 : i32
    %mul3A_0 = arith.muli %arg0, %mul3A : i32
    %add3A = arith.addi %mul3A_0, %arg1 : i32
    "tpu.region"() ({
      %run_scoped3A = tpu.sem_alloc : memref<!tpu.dma_semaphore, #tpu.memory_space<semaphore_mem>>
      %dma_start3A = arith.constant 0 : i32
      %dma_start3A_17 = arith.constant 0 : i32
      %dma_start3A_18 = tpu.memref_slice %arg3[%add3A, %dma_start3A, %dma_start3A_17] : memref<32x82x128xi32, #tpu.memory_space<hbm>> -> memref<1x82x128xi32, #tpu.memory_space<hbm>>
      %dma_start3A_19 = tpu.memref_squeeze %dma_start3A_18 : memref<1x82x128xi32, #tpu.memory_space<hbm>> -> memref<82x128xi32, #tpu.memory_space<hbm>>
      %dma_start3A_20 = arith.constant 0 : i32
      %dma_start3A_21 = arith.constant 0 : i32
      %dma_start3A_22 = tpu.memref_slice %arg3[%add3A, %dma_start3A_20, %dma_start3A_21] : memref<32x82x128xi32, #tpu.memory_space<hbm>> -> memref<1x82x128xi32, #tpu.memory_space<hbm>>
      %dma_start3A_23 = tpu.memref_squeeze %dma_start3A_22 : memref<1x82x128xi32, #tpu.memory_space<hbm>> -> memref<82x128xi32, #tpu.memory_space<hbm>>
      tpu.enqueue_dma source(%dma_start3A_23 : memref<82x128xi32, #tpu.memory_space<hbm>>) target(%arg7 : memref<82x128xi32, #tpu.memory_space<vmem>>) target_semaphore(%run_scoped3A : memref<!tpu.dma_semaphore, #tpu.memory_space<semaphore_mem>>)
      %dma_wait3A = arith.constant 0 : i32
      %dma_wait3A_24 = arith.constant 0 : i32
      %dma_wait3A_25 = tpu.memref_slice %arg3[%add3A, %dma_wait3A, %dma_wait3A_24] : memref<32x82x128xi32, #tpu.memory_space<hbm>> -> memref<1x82x128xi32, #tpu.memory_space<hbm>>
      %dma_wait3A_26 = tpu.memref_squeeze %dma_wait3A_25 : memref<1x82x128xi32, #tpu.memory_space<hbm>> -> memref<82x128xi32, #tpu.memory_space<hbm>>
      %dma_wait3A_27 = arith.constant 0 : i32
      %dma_wait3A_28 = arith.constant 0 : i32
      %dma_wait3A_29 = tpu.memref_slice %arg3[%add3A, %dma_wait3A_27, %dma_wait3A_28] : memref<32x82x128xi32, #tpu.memory_space<hbm>> -> memref<1x82x128xi32, #tpu.memory_space<hbm>>
      %dma_wait3A_30 = tpu.memref_squeeze %dma_wait3A_29 : memref<1x82x128xi32, #tpu.memory_space<hbm>> -> memref<82x128xi32, #tpu.memory_space<hbm>>
      tpu.wait_dma2 semaphore(%run_scoped3A : memref<!tpu.dma_semaphore, #tpu.memory_space<semaphore_mem>>) src(%dma_wait3A_30 : memref<82x128xi32, #tpu.memory_space<hbm>>) dst(%arg7 : memref<82x128xi32, #tpu.memory_space<vmem>>)
      tpu.yield
    }) : () -> ()
    "tpu.region"() ({
      %run_scoped3A = tpu.sem_alloc : memref<!tpu.dma_semaphore, #tpu.memory_space<semaphore_mem>>
      %dma_start3A = arith.constant 0 : i32
      %dma_start3A_17 = arith.constant 0 : i32
      %dma_start3A_18 = tpu.memref_slice %arg4[%add3A, %dma_start3A, %dma_start3A_17] : memref<32x82x128xi32, #tpu.memory_space<hbm>> -> memref<1x82x128xi32, #tpu.memory_space<hbm>>
      %dma_start3A_19 = tpu.memref_squeeze %dma_start3A_18 : memref<1x82x128xi32, #tpu.memory_space<hbm>> -> memref<82x128xi32, #tpu.memory_space<hbm>>
      %dma_start3A_20 = arith.constant 0 : i32
      %dma_start3A_21 = arith.constant 0 : i32
      %dma_start3A_22 = tpu.memref_slice %arg4[%add3A, %dma_start3A_20, %dma_start3A_21] : memref<32x82x128xi32, #tpu.memory_space<hbm>> -> memref<1x82x128xi32, #tpu.memory_space<hbm>>
      %dma_start3A_23 = tpu.memref_squeeze %dma_start3A_22 : memref<1x82x128xi32, #tpu.memory_space<hbm>> -> memref<82x128xi32, #tpu.memory_space<hbm>>
      tpu.enqueue_dma source(%dma_start3A_23 : memref<82x128xi32, #tpu.memory_space<hbm>>) target(%arg8 : memref<82x128xi32, #tpu.memory_space<vmem>>) target_semaphore(%run_scoped3A : memref<!tpu.dma_semaphore, #tpu.memory_space<semaphore_mem>>)
      %dma_wait3A = arith.constant 0 : i32
      %dma_wait3A_24 = arith.constant 0 : i32
      %dma_wait3A_25 = tpu.memref_slice %arg4[%add3A, %dma_wait3A, %dma_wait3A_24] : memref<32x82x128xi32, #tpu.memory_space<hbm>> -> memref<1x82x128xi32, #tpu.memory_space<hbm>>
      %dma_wait3A_26 = tpu.memref_squeeze %dma_wait3A_25 : memref<1x82x128xi32, #tpu.memory_space<hbm>> -> memref<82x128xi32, #tpu.memory_space<hbm>>
      %dma_wait3A_27 = arith.constant 0 : i32
      %dma_wait3A_28 = arith.constant 0 : i32
      %dma_wait3A_29 = tpu.memref_slice %arg4[%add3A, %dma_wait3A_27, %dma_wait3A_28] : memref<32x82x128xi32, #tpu.memory_space<hbm>> -> memref<1x82x128xi32, #tpu.memory_space<hbm>>
      %dma_wait3A_30 = tpu.memref_squeeze %dma_wait3A_29 : memref<1x82x128xi32, #tpu.memory_space<hbm>> -> memref<82x128xi32, #tpu.memory_space<hbm>>
      tpu.wait_dma2 semaphore(%run_scoped3A : memref<!tpu.dma_semaphore, #tpu.memory_space<semaphore_mem>>) src(%dma_wait3A_30 : memref<82x128xi32, #tpu.memory_space<hbm>>) dst(%arg8 : memref<82x128xi32, #tpu.memory_space<vmem>>)
      tpu.yield
    }) : () -> ()
    %mul3A_1 = arith.constant 640 : i32
    %mul3A_2 = arith.muli %arg1, %mul3A_1 : i32
    %mul3A_3 = arith.constant 640 : i32
    %mul3A_4 = arith.muli %arg1, %mul3A_3 : i32
    "tpu.region"() ({
      %run_scoped3A = tpu.sem_alloc : memref<!tpu.dma_semaphore, #tpu.memory_space<semaphore_mem>>
      %dma_start3A = arith.constant 0 : i32
      %dma_start3A_17 = tpu.memref_slice %arg11[%mul3A_4, %dma_start3A] : memref<10240x128xf32, #tpu.memory_space<vmem_shared>> -> memref<640x128xf32, #tpu.memory_space<vmem_shared>>
      %dma_start3A_18 = arith.constant 0 : i32
      %dma_start3A_19 = tpu.memref_slice %arg5[%mul3A_2, %dma_start3A_18] : memref<10240x128xf32, #tpu.memory_space<hbm>> -> memref<640x128xf32, #tpu.memory_space<hbm>>
      tpu.enqueue_dma source(%dma_start3A_19 : memref<640x128xf32, #tpu.memory_space<hbm>>) target(%dma_start3A_17 : memref<640x128xf32, #tpu.memory_space<vmem_shared>>) target_semaphore(%run_scoped3A : memref<!tpu.dma_semaphore, #tpu.memory_space<semaphore_mem>>)
      %dma_wait3A = arith.constant 0 : i32
      %dma_wait3A_20 = tpu.memref_slice %arg11[%mul3A_4, %dma_wait3A] : memref<10240x128xf32, #tpu.memory_space<vmem_shared>> -> memref<640x128xf32, #tpu.memory_space<vmem_shared>>
      %dma_wait3A_21 = arith.constant 0 : i32
      %dma_wait3A_22 = tpu.memref_slice %arg5[%mul3A_2, %dma_wait3A_21] : memref<10240x128xf32, #tpu.memory_space<hbm>> -> memref<640x128xf32, #tpu.memory_space<hbm>>
      tpu.wait_dma2 semaphore(%run_scoped3A : memref<!tpu.dma_semaphore, #tpu.memory_space<semaphore_mem>>) src(%dma_wait3A_22 : memref<640x128xf32, #tpu.memory_space<hbm>>) dst(%dma_wait3A_20 : memref<640x128xf32, #tpu.memory_space<vmem_shared>>)
      tpu.yield
    }) : () -> ()
    %barrier3A = arith.constant 0 : index
    tpu.barrier barrier_id(%barrier3A)
    %scan3A = arith.constant 0 : i32
    %scan3A_5 = arith.constant 82 : i32
    %scan3A_6 = arith.addi %scan3A, %scan3A_5 : i32
    %scan3A_7 = arith.constant 1 : i32
    scf.for %scan3A_17 = %scan3A to %scan3A_6 step %scan3A_7  : i32 {
      %mul3A_18 = arith.constant 1 : i32
      %mul3A_19 = arith.muli %scan3A_17, %mul3A_18 : i32
      %add3A_20 = arith.constant 0 : i32
      %add3A_21 = arith.addi %add3A_20, %mul3A_19 : i32
      %dma_start3A = arith.constant 0 : i32
      %dma_start3A_22 = tpu.memref_slice %arg7[%add3A_21, %dma_start3A] : memref<82x128xi32, #tpu.memory_space<vmem>> -> memref<1x128xi32, #tpu.memory_space<vmem>>
      %dma_start3A_23 = tpu.memref_squeeze %dma_start3A_22 : memref<1x128xi32, #tpu.memory_space<vmem>> -> memref<128xi32, #tpu.memory_space<vmem>>
      %dma_start3A_24 = arith.constant 0 : i32
      %dma_start3A_25 = arith.constant 0 : i32
      %dma_start3A_26 = tpu.memref_slice %arg2[%dma_start3A_24, %dma_start3A_25] : memref<10000x128xf32, #tpu.memory_space<hbm>> -> memref<10000x128xf32, #tpu.memory_space<hbm>>
      tpu.enqueue_indirect_dma source(%dma_start3A_26 : memref<10000x128xf32, #tpu.memory_space<hbm>>) target(%arg9 : memref<128x128xf32, #tpu.memory_space<vmem>>) offsets(%dma_start3A_23 : memref<128xi32, #tpu.memory_space<vmem>>) semaphore(%arg10 : memref<!tpu.dma_semaphore, #tpu.memory_space<semaphore_mem>>)
      %dma_wait3A = arith.constant 0 : i32
      %dma_wait3A_27 = tpu.memref_slice %arg7[%add3A_21, %dma_wait3A] : memref<82x128xi32, #tpu.memory_space<vmem>> -> memref<1x128xi32, #tpu.memory_space<vmem>>
      %dma_wait3A_28 = tpu.memref_squeeze %dma_wait3A_27 : memref<1x128xi32, #tpu.memory_space<vmem>> -> memref<128xi32, #tpu.memory_space<vmem>>
      %dma_wait3A_29 = arith.constant 0 : i32
      %dma_wait3A_30 = arith.constant 0 : i32
      %dma_wait3A_31 = tpu.memref_slice %arg2[%dma_wait3A_29, %dma_wait3A_30] : memref<10000x128xf32, #tpu.memory_space<hbm>> -> memref<10000x128xf32, #tpu.memory_space<hbm>>
      tpu.wait_indirect_dma semaphore(%arg10 : memref<!tpu.dma_semaphore, #tpu.memory_space<semaphore_mem>>) src(%dma_wait3A_31 : memref<10000x128xf32, #tpu.memory_space<hbm>>) dst(%arg9 : memref<128x128xf32, #tpu.memory_space<vmem>>)
      "tpu.region"() ({
        %run_scoped3A = tpu.sem_alloc : memref<!tpu.dma_semaphore, #tpu.memory_space<semaphore_mem>>
        %dma_start3A_32 = arith.constant 0 : i32
        %dma_start3A_33 = tpu.memref_slice %arg8[%add3A_21, %dma_start3A_32] : memref<82x128xi32, #tpu.memory_space<vmem>> -> memref<1x128xi32, #tpu.memory_space<vmem>>
        %dma_start3A_34 = tpu.memref_squeeze %dma_start3A_33 : memref<1x128xi32, #tpu.memory_space<vmem>> -> memref<128xi32, #tpu.memory_space<vmem>>
        %dma_start3A_35 = arith.constant 0 : i32
        %dma_start3A_36 = arith.constant 0 : i32
        %dma_start3A_37 = tpu.memref_slice %arg11[%dma_start3A_35, %dma_start3A_36] : memref<10240x128xf32, #tpu.memory_space<vmem_shared>> -> memref<10240x128xf32, #tpu.memory_space<vmem_shared>>
        tpu.enqueue_indirect_dma source(%arg9 : memref<128x128xf32, #tpu.memory_space<vmem>>) target(%dma_start3A_37 : memref<10240x128xf32, #tpu.memory_space<vmem_shared>>) offsets(%dma_start3A_34 : memref<128xi32, #tpu.memory_space<vmem>>) semaphore(%run_scoped3A : memref<!tpu.dma_semaphore, #tpu.memory_space<semaphore_mem>>) {add = true}
        %dma_wait3A_38 = arith.constant 0 : i32
        %dma_wait3A_39 = tpu.memref_slice %arg8[%add3A_21, %dma_wait3A_38] : memref<82x128xi32, #tpu.memory_space<vmem>> -> memref<1x128xi32, #tpu.memory_space<vmem>>
        %dma_wait3A_40 = tpu.memref_squeeze %dma_wait3A_39 : memref<1x128xi32, #tpu.memory_space<vmem>> -> memref<128xi32, #tpu.memory_space<vmem>>
        %dma_wait3A_41 = arith.constant 0 : i32
        %dma_wait3A_42 = arith.constant 0 : i32
        %dma_wait3A_43 = tpu.memref_slice %arg11[%dma_wait3A_41, %dma_wait3A_42] : memref<10240x128xf32, #tpu.memory_space<vmem_shared>> -> memref<10240x128xf32, #tpu.memory_space<vmem_shared>>
        tpu.wait_indirect_dma semaphore(%run_scoped3A : memref<!tpu.dma_semaphore, #tpu.memory_space<semaphore_mem>>) src(%arg9 : memref<128x128xf32, #tpu.memory_space<vmem>>) dst(%dma_wait3A_43 : memref<10240x128xf32, #tpu.memory_space<vmem_shared>>)
        tpu.yield
      }) : () -> ()
    }
    %scan3A_8 = arith.constant 82 : i32
    %barrier3A_9 = arith.constant 0 : index
    tpu.barrier barrier_id(%barrier3A_9)
    %mul3A_10 = arith.constant 640 : i32
    %mul3A_11 = arith.muli %arg1, %mul3A_10 : i32
    %mul3A_12 = arith.constant 10240 : i32
    %mul3A_13 = arith.muli %arg0, %mul3A_12 : i32
    %mul3A_14 = arith.constant 640 : i32
    %mul3A_15 = arith.muli %arg1, %mul3A_14 : i32
    %add3A_16 = arith.addi %mul3A_13, %mul3A_15 : i32
    "tpu.region"() ({
      %run_scoped3A = tpu.sem_alloc : memref<!tpu.dma_semaphore, #tpu.memory_space<semaphore_mem>>
      %dma_start3A = arith.constant 0 : i32
      %dma_start3A_17 = tpu.memref_slice %arg6[%add3A_16, %dma_start3A] : memref<20480x128xf32, #tpu.memory_space<hbm>> -> memref<640x128xf32, #tpu.memory_space<hbm>>
      %dma_start3A_18 = arith.constant 0 : i32
      %dma_start3A_19 = tpu.memref_slice %arg11[%mul3A_11, %dma_start3A_18] : memref<10240x128xf32, #tpu.memory_space<vmem_shared>> -> memref<640x128xf32, #tpu.memory_space<vmem_shared>>
      tpu.enqueue_dma source(%dma_start3A_19 : memref<640x128xf32, #tpu.memory_space<vmem_shared>>) target(%dma_start3A_17 : memref<640x128xf32, #tpu.memory_space<hbm>>) target_semaphore(%run_scoped3A : memref<!tpu.dma_semaphore, #tpu.memory_space<semaphore_mem>>)
      %dma_wait3A = arith.constant 0 : i32
      %dma_wait3A_20 = tpu.memref_slice %arg6[%add3A_16, %dma_wait3A] : memref<20480x128xf32, #tpu.memory_space<hbm>> -> memref<640x128xf32, #tpu.memory_space<hbm>>
      %dma_wait3A_21 = arith.constant 0 : i32
      %dma_wait3A_22 = tpu.memref_slice %arg11[%mul3A_11, %dma_wait3A_21] : memref<10240x128xf32, #tpu.memory_space<vmem_shared>> -> memref<640x128xf32, #tpu.memory_space<vmem_shared>>
      tpu.wait_dma2 semaphore(%run_scoped3A : memref<!tpu.dma_semaphore, #tpu.memory_space<semaphore_mem>>) src(%dma_wait3A_22 : memref<640x128xf32, #tpu.memory_space<vmem_shared>>) dst(%dma_wait3A_20 : memref<640x128xf32, #tpu.memory_space<hbm>>)
      tpu.yield
    }) : () -> ()
    return
  }
}

#map = affine_map<(d0, d1) -> (0, 0)>
#map1 = affine_map<(d0, d1) -> (0)>
module attributes {stable_mosaic.version = 14 : i64} {
  func.func @_deg_sc(%arg0: i32, %arg1: i32, %arg2: memref<32x10496xi32, #tpu.memory_space<hbm>>, %arg3: memref<10240xf32, #tpu.memory_space<hbm>>, %arg4: memref<327680xf32, #tpu.memory_space<hbm>>, %arg5: memref<10496xi32, #tpu.memory_space<vmem>>, %arg6: memref<10240xf32, #tpu.memory_space<vmem>>) attributes {dimension_semantics = [#tpu.dimension_semantics<core_parallel>, #tpu.dimension_semantics<subcore_parallel>], iteration_bounds = array<i64: 2, 16>, scalar_prefetch = 0 : i64, scratch_operands = 2 : i64, tpu.core_type = #tpu.core_type<sc_vector_subcore>, window_params = [{transform_indices = #map}, {transform_indices = #map1}, {transform_indices = #map1}]} {
    %mul3A = arith.constant 16 : i32
    %mul3A_0 = arith.muli %arg0, %mul3A : i32
    %add3A = arith.addi %mul3A_0, %arg1 : i32
    "tpu.region"() ({
      %run_scoped3A = tpu.sem_alloc : memref<!tpu.dma_semaphore, #tpu.memory_space<semaphore_mem>>
      tpu.enqueue_dma source(%arg3 : memref<10240xf32, #tpu.memory_space<hbm>>) target(%arg6 : memref<10240xf32, #tpu.memory_space<vmem>>) target_semaphore(%run_scoped3A : memref<!tpu.dma_semaphore, #tpu.memory_space<semaphore_mem>>)
      tpu.wait_dma2 semaphore(%run_scoped3A : memref<!tpu.dma_semaphore, #tpu.memory_space<semaphore_mem>>) src(%arg3 : memref<10240xf32, #tpu.memory_space<hbm>>) dst(%arg6 : memref<10240xf32, #tpu.memory_space<vmem>>)
      tpu.yield
    }) : () -> ()
    "tpu.region"() ({
      %run_scoped3A = tpu.sem_alloc : memref<!tpu.dma_semaphore, #tpu.memory_space<semaphore_mem>>
      %dma_start3A = arith.constant 0 : i32
      %dma_start3A_8 = tpu.memref_slice %arg2[%add3A, %dma_start3A] : memref<32x10496xi32, #tpu.memory_space<hbm>> -> memref<1x10496xi32, #tpu.memory_space<hbm>>
      %dma_start3A_9 = tpu.memref_squeeze %dma_start3A_8 : memref<1x10496xi32, #tpu.memory_space<hbm>> -> memref<10496xi32, #tpu.memory_space<hbm>>
      %dma_start3A_10 = arith.constant 0 : i32
      %dma_start3A_11 = tpu.memref_slice %arg2[%add3A, %dma_start3A_10] : memref<32x10496xi32, #tpu.memory_space<hbm>> -> memref<1x10496xi32, #tpu.memory_space<hbm>>
      %dma_start3A_12 = tpu.memref_squeeze %dma_start3A_11 : memref<1x10496xi32, #tpu.memory_space<hbm>> -> memref<10496xi32, #tpu.memory_space<hbm>>
      tpu.enqueue_dma source(%dma_start3A_12 : memref<10496xi32, #tpu.memory_space<hbm>>) target(%arg5 : memref<10496xi32, #tpu.memory_space<vmem>>) target_semaphore(%run_scoped3A : memref<!tpu.dma_semaphore, #tpu.memory_space<semaphore_mem>>)
      %dma_wait3A = arith.constant 0 : i32
      %dma_wait3A_13 = tpu.memref_slice %arg2[%add3A, %dma_wait3A] : memref<32x10496xi32, #tpu.memory_space<hbm>> -> memref<1x10496xi32, #tpu.memory_space<hbm>>
      %dma_wait3A_14 = tpu.memref_squeeze %dma_wait3A_13 : memref<1x10496xi32, #tpu.memory_space<hbm>> -> memref<10496xi32, #tpu.memory_space<hbm>>
      %dma_wait3A_15 = arith.constant 0 : i32
      %dma_wait3A_16 = tpu.memref_slice %arg2[%add3A, %dma_wait3A_15] : memref<32x10496xi32, #tpu.memory_space<hbm>> -> memref<1x10496xi32, #tpu.memory_space<hbm>>
      %dma_wait3A_17 = tpu.memref_squeeze %dma_wait3A_16 : memref<1x10496xi32, #tpu.memory_space<hbm>> -> memref<10496xi32, #tpu.memory_space<hbm>>
      tpu.wait_dma2 semaphore(%run_scoped3A : memref<!tpu.dma_semaphore, #tpu.memory_space<semaphore_mem>>) src(%dma_wait3A_17 : memref<10496xi32, #tpu.memory_space<hbm>>) dst(%arg5 : memref<10496xi32, #tpu.memory_space<vmem>>)
      tpu.yield
    }) : () -> ()
    %broadcast_in_dim3A = arith.constant 1.000000e+00 : f32
    %broadcast_in_dim3A_1 = vector.broadcast %broadcast_in_dim3A : f32 to vector<16xf32>
    %scan3A = arith.constant 0 : i32
    %scan3A_2 = arith.constant 656 : i32
    %scan3A_3 = arith.addi %scan3A, %scan3A_2 : i32
    %scan3A_4 = arith.constant 1 : i32
    scf.for %scan3A_8 = %scan3A to %scan3A_3 step %scan3A_4  : i32 {
      %mul3A_9 = arith.constant 1 : i32
      %mul3A_10 = arith.muli %scan3A_8, %mul3A_9 : i32
      %add3A_11 = arith.constant 0 : i32
      %add3A_12 = arith.addi %add3A_11, %mul3A_10 : i32
      %mul3A_13 = arith.constant 16 : i32
      %mul3A_14 = arith.muli %add3A_12, %mul3A_13 : i32
      %get3A = arith.index_cast %mul3A_14 : i32 to index
      %get3A_15 = tpu.vector_load %arg5[%get3A] {strides = array<i32>} : memref<10496xi32, #tpu.memory_space<vmem>>, vector<16xi32>,
      tpu.vector_store_idx %arg6[%get3A_15], %broadcast_in_dim3A_1 {add = true} : memref<10240xf32, #tpu.memory_space<vmem>>[vector<16xi32>], vector<16xf32>,
    }
    %scan3A_5 = arith.constant 656 : i32
    %mul3A_6 = arith.constant 10240 : i32
    %mul3A_7 = arith.muli %add3A, %mul3A_6 : i32
    "tpu.region"() ({
      %run_scoped3A = tpu.sem_alloc : memref<!tpu.dma_semaphore, #tpu.memory_space<semaphore_mem>>
      %dma_start3A = tpu.memref_slice %arg4[%mul3A_7] : memref<327680xf32, #tpu.memory_space<hbm>> -> memref<10240xf32, #tpu.memory_space<hbm>>
      %dma_start3A_8 = tpu.memref_slice %arg4[%mul3A_7] : memref<327680xf32, #tpu.memory_space<hbm>> -> memref<10240xf32, #tpu.memory_space<hbm>>
      tpu.enqueue_dma source(%arg6 : memref<10240xf32, #tpu.memory_space<vmem>>) target(%dma_start3A_8 : memref<10240xf32, #tpu.memory_space<hbm>>) target_semaphore(%run_scoped3A : memref<!tpu.dma_semaphore, #tpu.memory_space<semaphore_mem>>)
      %dma_wait3A = tpu.memref_slice %arg4[%mul3A_7] : memref<327680xf32, #tpu.memory_space<hbm>> -> memref<10240xf32, #tpu.memory_space<hbm>>
      %dma_wait3A_9 = tpu.memref_slice %arg4[%mul3A_7] : memref<327680xf32, #tpu.memory_space<hbm>> -> memref<10240xf32, #tpu.memory_space<hbm>>
      tpu.wait_dma2 semaphore(%run_scoped3A : memref<!tpu.dma_semaphore, #tpu.memory_space<semaphore_mem>>) src(%arg6 : memref<10240xf32, #tpu.memory_space<vmem>>) dst(%dma_wait3A_9 : memref<10240xf32, #tpu.memory_space<hbm>>)
      tpu.yield
    }) : () -> ()
    return
  }
}

#map = affine_map<(d0, d1) -> (0, 0)>
#map1 = affine_map<(d0, d1) -> (0, 0, 0)>
module attributes {stable_mosaic.version = 14 : i64} {
  func.func @_agg_sc(%arg0: i32, %arg1: i32, %arg2: memref<10000x128xf32, #tpu.memory_space<hbm>>, %arg3: memref<32x82x128xi32, #tpu.memory_space<hbm>>, %arg4: memref<32x82x128xi32, #tpu.memory_space<hbm>>, %arg5: memref<10240x128xf32, #tpu.memory_space<hbm>>, %arg6: memref<20480x128xf32, #tpu.memory_space<hbm>>, %arg7: memref<82x128xi32, #tpu.memory_space<vmem>>, %arg8: memref<82x128xi32, #tpu.memory_space<vmem>>, %arg9: memref<128x128xf32, #tpu.memory_space<vmem>>, %arg10: memref<!tpu.dma_semaphore, #tpu.memory_space<semaphore_mem>>, %arg11: memref<10240x128xf32, #tpu.memory_space<vmem_shared>>) attributes {dimension_semantics = [#tpu.dimension_semantics<core_parallel>, #tpu.dimension_semantics<subcore_parallel>], iteration_bounds = array<i64: 2, 16>, scalar_prefetch = 0 : i64, scratch_operands = 5 : i64, tpu.core_type = #tpu.core_type<sc_vector_subcore>, window_params = [{transform_indices = #map}, {transform_indices = #map1}, {transform_indices = #map1}, {transform_indices = #map}, {transform_indices = #map}]} {
    %mul3A = arith.constant 16 : i32
    %mul3A_0 = arith.muli %arg0, %mul3A : i32
    %add3A = arith.addi %mul3A_0, %arg1 : i32
    "tpu.region"() ({
      %run_scoped3A = tpu.sem_alloc : memref<!tpu.dma_semaphore, #tpu.memory_space<semaphore_mem>>
      %dma_start3A = arith.constant 0 : i32
      %dma_start3A_17 = arith.constant 0 : i32
      %dma_start3A_18 = tpu.memref_slice %arg3[%add3A, %dma_start3A, %dma_start3A_17] : memref<32x82x128xi32, #tpu.memory_space<hbm>> -> memref<1x82x128xi32, #tpu.memory_space<hbm>>
      %dma_start3A_19 = tpu.memref_squeeze %dma_start3A_18 : memref<1x82x128xi32, #tpu.memory_space<hbm>> -> memref<82x128xi32, #tpu.memory_space<hbm>>
      %dma_start3A_20 = arith.constant 0 : i32
      %dma_start3A_21 = arith.constant 0 : i32
      %dma_start3A_22 = tpu.memref_slice %arg3[%add3A, %dma_start3A_20, %dma_start3A_21] : memref<32x82x128xi32, #tpu.memory_space<hbm>> -> memref<1x82x128xi32, #tpu.memory_space<hbm>>
      %dma_start3A_23 = tpu.memref_squeeze %dma_start3A_22 : memref<1x82x128xi32, #tpu.memory_space<hbm>> -> memref<82x128xi32, #tpu.memory_space<hbm>>
      tpu.enqueue_dma source(%dma_start3A_23 : memref<82x128xi32, #tpu.memory_space<hbm>>) target(%arg7 : memref<82x128xi32, #tpu.memory_space<vmem>>) target_semaphore(%run_scoped3A : memref<!tpu.dma_semaphore, #tpu.memory_space<semaphore_mem>>)
      %dma_wait3A = arith.constant 0 : i32
      %dma_wait3A_24 = arith.constant 0 : i32
      %dma_wait3A_25 = tpu.memref_slice %arg3[%add3A, %dma_wait3A, %dma_wait3A_24] : memref<32x82x128xi32, #tpu.memory_space<hbm>> -> memref<1x82x128xi32, #tpu.memory_space<hbm>>
      %dma_wait3A_26 = tpu.memref_squeeze %dma_wait3A_25 : memref<1x82x128xi32, #tpu.memory_space<hbm>> -> memref<82x128xi32, #tpu.memory_space<hbm>>
      %dma_wait3A_27 = arith.constant 0 : i32
      %dma_wait3A_28 = arith.constant 0 : i32
      %dma_wait3A_29 = tpu.memref_slice %arg3[%add3A, %dma_wait3A_27, %dma_wait3A_28] : memref<32x82x128xi32, #tpu.memory_space<hbm>> -> memref<1x82x128xi32, #tpu.memory_space<hbm>>
      %dma_wait3A_30 = tpu.memref_squeeze %dma_wait3A_29 : memref<1x82x128xi32, #tpu.memory_space<hbm>> -> memref<82x128xi32, #tpu.memory_space<hbm>>
      tpu.wait_dma2 semaphore(%run_scoped3A : memref<!tpu.dma_semaphore, #tpu.memory_space<semaphore_mem>>) src(%dma_wait3A_30 : memref<82x128xi32, #tpu.memory_space<hbm>>) dst(%arg7 : memref<82x128xi32, #tpu.memory_space<vmem>>)
      tpu.yield
    }) : () -> ()
    "tpu.region"() ({
      %run_scoped3A = tpu.sem_alloc : memref<!tpu.dma_semaphore, #tpu.memory_space<semaphore_mem>>
      %dma_start3A = arith.constant 0 : i32
      %dma_start3A_17 = arith.constant 0 : i32
      %dma_start3A_18 = tpu.memref_slice %arg4[%add3A, %dma_start3A, %dma_start3A_17] : memref<32x82x128xi32, #tpu.memory_space<hbm>> -> memref<1x82x128xi32, #tpu.memory_space<hbm>>
      %dma_start3A_19 = tpu.memref_squeeze %dma_start3A_18 : memref<1x82x128xi32, #tpu.memory_space<hbm>> -> memref<82x128xi32, #tpu.memory_space<hbm>>
      %dma_start3A_20 = arith.constant 0 : i32
      %dma_start3A_21 = arith.constant 0 : i32
      %dma_start3A_22 = tpu.memref_slice %arg4[%add3A, %dma_start3A_20, %dma_start3A_21] : memref<32x82x128xi32, #tpu.memory_space<hbm>> -> memref<1x82x128xi32, #tpu.memory_space<hbm>>
      %dma_start3A_23 = tpu.memref_squeeze %dma_start3A_22 : memref<1x82x128xi32, #tpu.memory_space<hbm>> -> memref<82x128xi32, #tpu.memory_space<hbm>>
      tpu.enqueue_dma source(%dma_start3A_23 : memref<82x128xi32, #tpu.memory_space<hbm>>) target(%arg8 : memref<82x128xi32, #tpu.memory_space<vmem>>) target_semaphore(%run_scoped3A : memref<!tpu.dma_semaphore, #tpu.memory_space<semaphore_mem>>)
      %dma_wait3A = arith.constant 0 : i32
      %dma_wait3A_24 = arith.constant 0 : i32
      %dma_wait3A_25 = tpu.memref_slice %arg4[%add3A, %dma_wait3A, %dma_wait3A_24] : memref<32x82x128xi32, #tpu.memory_space<hbm>> -> memref<1x82x128xi32, #tpu.memory_space<hbm>>
      %dma_wait3A_26 = tpu.memref_squeeze %dma_wait3A_25 : memref<1x82x128xi32, #tpu.memory_space<hbm>> -> memref<82x128xi32, #tpu.memory_space<hbm>>
      %dma_wait3A_27 = arith.constant 0 : i32
      %dma_wait3A_28 = arith.constant 0 : i32
      %dma_wait3A_29 = tpu.memref_slice %arg4[%add3A, %dma_wait3A_27, %dma_wait3A_28] : memref<32x82x128xi32, #tpu.memory_space<hbm>> -> memref<1x82x128xi32, #tpu.memory_space<hbm>>
      %dma_wait3A_30 = tpu.memref_squeeze %dma_wait3A_29 : memref<1x82x128xi32, #tpu.memory_space<hbm>> -> memref<82x128xi32, #tpu.memory_space<hbm>>
      tpu.wait_dma2 semaphore(%run_scoped3A : memref<!tpu.dma_semaphore, #tpu.memory_space<semaphore_mem>>) src(%dma_wait3A_30 : memref<82x128xi32, #tpu.memory_space<hbm>>) dst(%arg8 : memref<82x128xi32, #tpu.memory_space<vmem>>)
      tpu.yield
    }) : () -> ()
    %mul3A_1 = arith.constant 640 : i32
    %mul3A_2 = arith.muli %arg1, %mul3A_1 : i32
    %mul3A_3 = arith.constant 640 : i32
    %mul3A_4 = arith.muli %arg1, %mul3A_3 : i32
    "tpu.region"() ({
      %run_scoped3A = tpu.sem_alloc : memref<!tpu.dma_semaphore, #tpu.memory_space<semaphore_mem>>
      %dma_start3A = arith.constant 0 : i32
      %dma_start3A_17 = tpu.memref_slice %arg11[%mul3A_4, %dma_start3A] : memref<10240x128xf32, #tpu.memory_space<vmem_shared>> -> memref<640x128xf32, #tpu.memory_space<vmem_shared>>
      %dma_start3A_18 = arith.constant 0 : i32
      %dma_start3A_19 = tpu.memref_slice %arg5[%mul3A_2, %dma_start3A_18] : memref<10240x128xf32, #tpu.memory_space<hbm>> -> memref<640x128xf32, #tpu.memory_space<hbm>>
      tpu.enqueue_dma source(%dma_start3A_19 : memref<640x128xf32, #tpu.memory_space<hbm>>) target(%dma_start3A_17 : memref<640x128xf32, #tpu.memory_space<vmem_shared>>) target_semaphore(%run_scoped3A : memref<!tpu.dma_semaphore, #tpu.memory_space<semaphore_mem>>)
      %dma_wait3A = arith.constant 0 : i32
      %dma_wait3A_20 = tpu.memref_slice %arg11[%mul3A_4, %dma_wait3A] : memref<10240x128xf32, #tpu.memory_space<vmem_shared>> -> memref<640x128xf32, #tpu.memory_space<vmem_shared>>
      %dma_wait3A_21 = arith.constant 0 : i32
      %dma_wait3A_22 = tpu.memref_slice %arg5[%mul3A_2, %dma_wait3A_21] : memref<10240x128xf32, #tpu.memory_space<hbm>> -> memref<640x128xf32, #tpu.memory_space<hbm>>
      tpu.wait_dma2 semaphore(%run_scoped3A : memref<!tpu.dma_semaphore, #tpu.memory_space<semaphore_mem>>) src(%dma_wait3A_22 : memref<640x128xf32, #tpu.memory_space<hbm>>) dst(%dma_wait3A_20 : memref<640x128xf32, #tpu.memory_space<vmem_shared>>)
      tpu.yield
    }) : () -> ()
    %barrier3A = arith.constant 0 : index
    tpu.barrier barrier_id(%barrier3A)
    %scan3A = arith.constant 0 : i32
    %scan3A_5 = arith.constant 82 : i32
    %scan3A_6 = arith.addi %scan3A, %scan3A_5 : i32
    %scan3A_7 = arith.constant 1 : i32
    scf.for %scan3A_17 = %scan3A to %scan3A_6 step %scan3A_7  : i32 {
      %mul3A_18 = arith.constant 1 : i32
      %mul3A_19 = arith.muli %scan3A_17, %mul3A_18 : i32
      %add3A_20 = arith.constant 0 : i32
      %add3A_21 = arith.addi %add3A_20, %mul3A_19 : i32
      %dma_start3A = arith.constant 0 : i32
      %dma_start3A_22 = tpu.memref_slice %arg7[%add3A_21, %dma_start3A] : memref<82x128xi32, #tpu.memory_space<vmem>> -> memref<1x128xi32, #tpu.memory_space<vmem>>
      %dma_start3A_23 = tpu.memref_squeeze %dma_start3A_22 : memref<1x128xi32, #tpu.memory_space<vmem>> -> memref<128xi32, #tpu.memory_space<vmem>>
      %dma_start3A_24 = arith.constant 0 : i32
      %dma_start3A_25 = arith.constant 0 : i32
      %dma_start3A_26 = tpu.memref_slice %arg2[%dma_start3A_24, %dma_start3A_25] : memref<10000x128xf32, #tpu.memory_space<hbm>> -> memref<10000x128xf32, #tpu.memory_space<hbm>>
      tpu.enqueue_indirect_dma source(%dma_start3A_26 : memref<10000x128xf32, #tpu.memory_space<hbm>>) target(%arg9 : memref<128x128xf32, #tpu.memory_space<vmem>>) offsets(%dma_start3A_23 : memref<128xi32, #tpu.memory_space<vmem>>) semaphore(%arg10 : memref<!tpu.dma_semaphore, #tpu.memory_space<semaphore_mem>>)
      %dma_wait3A = arith.constant 0 : i32
      %dma_wait3A_27 = tpu.memref_slice %arg7[%add3A_21, %dma_wait3A] : memref<82x128xi32, #tpu.memory_space<vmem>> -> memref<1x128xi32, #tpu.memory_space<vmem>>
      %dma_wait3A_28 = tpu.memref_squeeze %dma_wait3A_27 : memref<1x128xi32, #tpu.memory_space<vmem>> -> memref<128xi32, #tpu.memory_space<vmem>>
      %dma_wait3A_29 = arith.constant 0 : i32
      %dma_wait3A_30 = arith.constant 0 : i32
      %dma_wait3A_31 = tpu.memref_slice %arg2[%dma_wait3A_29, %dma_wait3A_30] : memref<10000x128xf32, #tpu.memory_space<hbm>> -> memref<10000x128xf32, #tpu.memory_space<hbm>>
      tpu.wait_indirect_dma semaphore(%arg10 : memref<!tpu.dma_semaphore, #tpu.memory_space<semaphore_mem>>) src(%dma_wait3A_31 : memref<10000x128xf32, #tpu.memory_space<hbm>>) dst(%arg9 : memref<128x128xf32, #tpu.memory_space<vmem>>)
      "tpu.region"() ({
        %run_scoped3A = tpu.sem_alloc : memref<!tpu.dma_semaphore, #tpu.memory_space<semaphore_mem>>
        %dma_start3A_32 = arith.constant 0 : i32
        %dma_start3A_33 = tpu.memref_slice %arg8[%add3A_21, %dma_start3A_32] : memref<82x128xi32, #tpu.memory_space<vmem>> -> memref<1x128xi32, #tpu.memory_space<vmem>>
        %dma_start3A_34 = tpu.memref_squeeze %dma_start3A_33 : memref<1x128xi32, #tpu.memory_space<vmem>> -> memref<128xi32, #tpu.memory_space<vmem>>
        %dma_start3A_35 = arith.constant 0 : i32
        %dma_start3A_36 = arith.constant 0 : i32
        %dma_start3A_37 = tpu.memref_slice %arg11[%dma_start3A_35, %dma_start3A_36] : memref<10240x128xf32, #tpu.memory_space<vmem_shared>> -> memref<10240x128xf32, #tpu.memory_space<vmem_shared>>
        tpu.enqueue_indirect_dma source(%arg9 : memref<128x128xf32, #tpu.memory_space<vmem>>) target(%dma_start3A_37 : memref<10240x128xf32, #tpu.memory_space<vmem_shared>>) offsets(%dma_start3A_34 : memref<128xi32, #tpu.memory_space<vmem>>) semaphore(%run_scoped3A : memref<!tpu.dma_semaphore, #tpu.memory_space<semaphore_mem>>) {add = true}
        %dma_wait3A_38 = arith.constant 0 : i32
        %dma_wait3A_39 = tpu.memref_slice %arg8[%add3A_21, %dma_wait3A_38] : memref<82x128xi32, #tpu.memory_space<vmem>> -> memref<1x128xi32, #tpu.memory_space<vmem>>
        %dma_wait3A_40 = tpu.memref_squeeze %dma_wait3A_39 : memref<1x128xi32, #tpu.memory_space<vmem>> -> memref<128xi32, #tpu.memory_space<vmem>>
        %dma_wait3A_41 = arith.constant 0 : i32
        %dma_wait3A_42 = arith.constant 0 : i32
        %dma_wait3A_43 = tpu.memref_slice %arg11[%dma_wait3A_41, %dma_wait3A_42] : memref<10240x128xf32, #tpu.memory_space<vmem_shared>> -> memref<10240x128xf32, #tpu.memory_space<vmem_shared>>
        tpu.wait_indirect_dma semaphore(%run_scoped3A : memref<!tpu.dma_semaphore, #tpu.memory_space<semaphore_mem>>) src(%arg9 : memref<128x128xf32, #tpu.memory_space<vmem>>) dst(%dma_wait3A_43 : memref<10240x128xf32, #tpu.memory_space<vmem_shared>>)
        tpu.yield
      }) : () -> ()
    }
    %scan3A_8 = arith.constant 82 : i32
    %barrier3A_9 = arith.constant 0 : index
    tpu.barrier barrier_id(%barrier3A_9)
    %mul3A_10 = arith.constant 640 : i32
    %mul3A_11 = arith.muli %arg1, %mul3A_10 : i32
    %mul3A_12 = arith.constant 10240 : i32
    %mul3A_13 = arith.muli %arg0, %mul3A_12 : i32
    %mul3A_14 = arith.constant 640 : i32
    %mul3A_15 = arith.muli %arg1, %mul3A_14 : i32
    %add3A_16 = arith.addi %mul3A_13, %mul3A_15 : i32
    "tpu.region"() ({
      %run_scoped3A = tpu.sem_alloc : memref<!tpu.dma_semaphore, #tpu.memory_space<semaphore_mem>>
      %dma_start3A = arith.constant 0 : i32
      %dma_start3A_17 = tpu.memref_slice %arg6[%add3A_16, %dma_start3A] : memref<20480x128xf32, #tpu.memory_space<hbm>> -> memref<640x128xf32, #tpu.memory_space<hbm>>
      %dma_start3A_18 = arith.constant 0 : i32
      %dma_start3A_19 = tpu.memref_slice %arg11[%mul3A_11, %dma_start3A_18] : memref<10240x128xf32, #tpu.memory_space<vmem_shared>> -> memref<640x128xf32, #tpu.memory_space<vmem_shared>>
      tpu.enqueue_dma source(%dma_start3A_19 : memref<640x128xf32, #tpu.memory_space<vmem_shared>>) target(%dma_start3A_17 : memref<640x128xf32, #tpu.memory_space<hbm>>) target_semaphore(%run_scoped3A : memref<!tpu.dma_semaphore, #tpu.memory_space<semaphore_mem>>)
      %dma_wait3A = arith.constant 0 : i32
      %dma_wait3A_20 = tpu.memref_slice %arg6[%add3A_16, %dma_wait3A] : memref<20480x128xf32, #tpu.memory_space<hbm>> -> memref<640x128xf32, #tpu.memory_space<hbm>>
      %dma_wait3A_21 = arith.constant 0 : i32
      %dma_wait3A_22 = tpu.memref_slice %arg11[%mul3A_11, %dma_wait3A_21] : memref<10240x128xf32, #tpu.memory_space<vmem_shared>> -> memref<640x128xf32, #tpu.memory_space<vmem_shared>>
      tpu.wait_dma2 semaphore(%run_scoped3A : memref<!tpu.dma_semaphore, #tpu.memory_space<semaphore_mem>>) src(%dma_wait3A_22 : memref<640x128xf32, #tpu.memory_space<vmem_shared>>) dst(%dma_wait3A_20 : memref<640x128xf32, #tpu.memory_space<hbm>>)
      tpu.yield
    }) : () -> ()
    return
  }
}

module attributes {stable_mosaic.version = 14 : i64} {
  func.func @body(%arg0: i32, %arg1: memref<32x1024x1xf32, #tpu.memory_space<vmem>>, %arg2: memref<1024x128xf32, #tpu.memory_space<vmem>>) attributes {dimension_semantics = [#tpu.dimension_semantics<arbitrary>], iteration_bounds = array<i64: 10>, scalar_prefetch = 0 : i64, scratch_operands = 0 : i64, tpu.core_type = #tpu.core_type<tc>, window_params = [{transform_indices = @transform_0, window_bounds = array<i64: 32, 1024, 1>}, {transform_indices = @transform_1, window_bounds = array<i64: 1024, 128>}]} {
    %get3A = arith.constant 0 : index
    %get3A_0 = arith.constant 0 : index
    %get3A_1 = arith.constant 0 : index
    %get3A_2 = vector.load %arg1[%get3A, %get3A_0, %get3A_1] : memref<32x1024x1xf32, #tpu.memory_space<vmem>>, vector<32x1024x1xf32>
    %reduce_sum3A = arith.constant dense<0.000000e+00> : vector<1024x1xf32>
    %reduce_sum3A_3 = vector.multi_reduction <add>, %get3A_2, %reduce_sum3A [0] : vector<32x1024x1xf32> to vector<1024x1xf32>
    %gt3A = arith.constant 0.000000e+00 : f32
    %gt3A_4 = vector.broadcast %gt3A : f32 to vector<1024x1xf32>
    %gt3A_5 = arith.cmpf ogt, %reduce_sum3A_3, %gt3A_4 : vector<1024x1xf32>
    %rsqrt3A = math.rsqrt %reduce_sum3A_3 : vector<1024x1xf32>
    %jit3A = arith.constant 0.000000e+00 : f32
    %broadcast_in_dim3A = vector.broadcast %jit3A : f32 to vector<1024x1xf32>
    %select_n3A = arith.select %gt3A_5, %rsqrt3A, %broadcast_in_dim3A : vector<1024x1xi1>, vector<1024x1xf32>
    %broadcast_in_dim3A_6 = vector.shape_cast %select_n3A : vector<1024x1xf32> to vector<1024x1xf32>
    %broadcast_in_dim3A_7 = vector.broadcast %broadcast_in_dim3A_6 : vector<1024x1xf32> to vector<1024x128xf32>
    %swap3A = arith.constant 0 : index
    %swap3A_8 = arith.constant 0 : index
    %swap3A_9 = vector.load %arg2[%swap3A, %swap3A_8] : memref<1024x128xf32, #tpu.memory_space<vmem>>, vector<1024x128xf32>
    tpu.vector_store %arg2[%swap3A, %swap3A_8], %broadcast_in_dim3A_7 {strides = array<i32>} : memref<1024x128xf32, #tpu.memory_space<vmem>>, vector<1024x128xf32>,
    return
  }
  func.func @transform_0(%arg0: i32) -> (i32, i32, i32) {
    %c0_i32 = arith.constant 0 : i32
    %c0_i32_0 = arith.constant 0 : i32
    %c0_i32_1 = arith.constant 0 : i32
    return %c0_i32, %arg0, %c0_i32_0 : i32, i32, i32
  }
  func.func @transform_1(%arg0: i32) -> (i32, i32) {
    %c0_i32 = arith.constant 0 : i32
    %c0_i32_0 = arith.constant 0 : i32
    return %arg0, %c0_i32 : i32, i32
  }
}

module attributes {stable_mosaic.version = 14 : i64} {
  func.func @body(%arg0: i32, %arg1: memref<1024x128xf32, #tpu.memory_space<vmem>>, %arg2: memref<128x128xf32, #tpu.memory_space<vmem>>, %arg3: memref<1024x128xf32, #tpu.memory_space<vmem>>, %arg4: memref<1024x128xf32, #tpu.memory_space<vmem>>) attributes {dimension_semantics = [#tpu.dimension_semantics<arbitrary>], iteration_bounds = array<i64: 10>, scalar_prefetch = 0 : i64, scratch_operands = 0 : i64, tpu.core_type = #tpu.core_type<tc>, window_params = [{transform_indices = @transform_0, window_bounds = array<i64: 1024, 128>}, {pipeline_mode = #tpu.pipeline_mode<synchronous>, transform_indices = @transform_1, window_bounds = array<i64: 128, 128>}, {transform_indices = @transform_2, window_bounds = array<i64: 1024, 128>}, {transform_indices = @transform_3, window_bounds = array<i64: 1024, 128>}]} {
    %get3A = arith.constant 0 : index
    %get3A_0 = arith.constant 0 : index
    %get3A_1 = vector.load %arg1[%get3A, %get3A_0] : memref<1024x128xf32, #tpu.memory_space<vmem>>, vector<1024x128xf32>
    %get3A_2 = arith.constant 0 : index
    %get3A_3 = arith.constant 0 : index
    %get3A_4 = vector.load %arg2[%get3A_2, %get3A_3] : memref<128x128xf32, #tpu.memory_space<vmem>>, vector<128x128xf32>
    %dot_general3A = arith.constant dense<0.000000e+00> : vector<1024x128xf32>
    %dot_general3A_5 = tpu.matmul %get3A_1, %get3A_4, %dot_general3A {dimension_numbers = #tpu.dot_dimension_numbers<[1], [0], [0], [1], [0, 0, 1, 1], [], []>, transpose_lhs_hint = false} : vector<1024x128xf32>, vector<128x128xf32>, vector<1024x128xf32> -> vector<1024x128xf32>
    %get3A_6 = arith.constant 0 : index
    %get3A_7 = arith.constant 0 : index
    %get3A_8 = vector.load %arg3[%get3A_6, %get3A_7] : memref<1024x128xf32, #tpu.memory_space<vmem>>, vector<1024x128xf32>
    %mul3A = arith.mulf %dot_general3A_5, %get3A_8 : vector<1024x128xf32>
    %swap3A = arith.constant 0 : index
    %swap3A_9 = arith.constant 0 : index
    %swap3A_10 = vector.load %arg4[%swap3A, %swap3A_9] : memref<1024x128xf32, #tpu.memory_space<vmem>>, vector<1024x128xf32>
    tpu.vector_store %arg4[%swap3A, %swap3A_9], %mul3A {strides = array<i32>} : memref<1024x128xf32, #tpu.memory_space<vmem>>, vector<1024x128xf32>,
    return
  }
  func.func @transform_0(%arg0: i32) -> (i32, i32) {
    %c0_i32 = arith.constant 0 : i32
    %c0_i32_0 = arith.constant 0 : i32
    return %arg0, %c0_i32 : i32, i32
  }
  func.func @transform_1(%arg0: i32) -> (i32, i32) {
    %c0_i32 = arith.constant 0 : i32
    %c0_i32_0 = arith.constant 0 : i32
    %c0_i32_1 = arith.constant 0 : i32
    return %c0_i32, %c0_i32_0 : i32, i32
  }
  func.func @transform_2(%arg0: i32) -> (i32, i32) {
    %c0_i32 = arith.constant 0 : i32
    %c0_i32_0 = arith.constant 0 : i32
    return %arg0, %c0_i32 : i32, i32
  }
  func.func @transform_3(%arg0: i32) -> (i32, i32) {
    %c0_i32 = arith.constant 0 : i32
    %c0_i32_0 = arith.constant 0 : i32
    return %arg0, %c0_i32 : i32, i32
  }
}

module attributes {stable_mosaic.version = 14 : i64} {
  func.func @body(%arg0: i32, %arg1: memref<1x1024x128xf32, #tpu.memory_space<vmem>>, %arg2: memref<1x1024x128xf32, #tpu.memory_space<vmem>>, %arg3: memref<1024x128xf32, #tpu.memory_space<vmem>>, %arg4: memref<1x128xf32, #tpu.memory_space<vmem>>, %arg5: memref<1x128xf32, #tpu.memory_space<vmem>>, %arg6: memref<1x128xf32, #tpu.memory_space<vmem>>, %arg7: memref<128x128xf32, #tpu.memory_space<vmem>>, %arg8: memref<1024x128xf32, #tpu.memory_space<vmem>>) attributes {dimension_semantics = [#tpu.dimension_semantics<arbitrary>], iteration_bounds = array<i64: 10>, scalar_prefetch = 0 : i64, scratch_operands = 0 : i64, tpu.core_type = #tpu.core_type<tc>, window_params = [{transform_indices = @transform_0, window_bounds = array<i64: 1, 1024, 128>}, {transform_indices = @transform_1, window_bounds = array<i64: 1, 1024, 128>}, {transform_indices = @transform_2, window_bounds = array<i64: 1024, 128>}, {pipeline_mode = #tpu.pipeline_mode<synchronous>, transform_indices = @transform_3, window_bounds = array<i64: 1, 128>}, {pipeline_mode = #tpu.pipeline_mode<synchronous>, transform_indices = @transform_4, window_bounds = array<i64: 1, 128>}, {pipeline_mode = #tpu.pipeline_mode<synchronous>, transform_indices = @transform_5, window_bounds = array<i64: 1, 128>}, {pipeline_mode = #tpu.pipeline_mode<synchronous>, transform_indices = @transform_6, window_bounds = array<i64: 128, 128>}, {transform_indices = @transform_7, window_bounds = array<i64: 1024, 128>}]} {
    %get3A = arith.constant 0 : index
    %get3A_0 = arith.constant 0 : index
    %get3A_1 = vector.load %arg3[%get3A, %get3A_0] : memref<1024x128xf32, #tpu.memory_space<vmem>>, vector<1024x128xf32>
    %get3A_2 = arith.constant 0 : index
    %get3A_3 = arith.constant 0 : index
    %get3A_4 = arith.constant 0 : index
    %get3A_5 = vector.load %arg1[%get3A_2, %get3A_3, %get3A_4] : memref<1x1024x128xf32, #tpu.memory_space<vmem>>, vector<1x1024x128xf32>
    %get3A_6 = vector.shape_cast %get3A_5 : vector<1x1024x128xf32> to vector<1024x128xf32>
    %get3A_7 = arith.constant 0 : index
    %get3A_8 = arith.constant 0 : index
    %get3A_9 = arith.constant 0 : index
    %get3A_10 = vector.load %arg2[%get3A_7, %get3A_8, %get3A_9] : memref<1x1024x128xf32, #tpu.memory_space<vmem>>, vector<1x1024x128xf32>
    %get3A_11 = vector.shape_cast %get3A_10 : vector<1x1024x128xf32> to vector<1024x128xf32>
    %add3A = arith.addf %get3A_6, %get3A_11 : vector<1024x128xf32>
    %mul3A = arith.mulf %add3A, %get3A_1 : vector<1024x128xf32>
    %get3A_12 = arith.constant 0 : index
    %get3A_13 = arith.constant 0 : index
    %get3A_14 = vector.load %arg4[%get3A_12, %get3A_13] : memref<1x128xf32, #tpu.memory_space<vmem>>, vector<1x128xf32>
    %add3A_15 = vector.broadcast %get3A_14 : vector<1x128xf32> to vector<1024x128xf32>
    %add3A_16 = arith.addf %mul3A, %add3A_15 : vector<1024x128xf32>
    %max3A = arith.constant 0.000000e+00 : f32
    %max3A_17 = vector.broadcast %max3A : f32 to vector<1024x128xf32>
    %max3A_18 = arith.maximumf %add3A_16, %max3A_17 : vector<1024x128xf32>
    %reduce_sum3A = arith.constant dense<0.000000e+00> : vector<1024xf32>
    %reduce_sum3A_19 = vector.multi_reduction <add>, %max3A_18, %reduce_sum3A [1] : vector<1024x128xf32> to vector<1024xf32>
    %broadcast_in_dim3A = vector.shape_cast %reduce_sum3A_19 : vector<1024xf32> to vector<1024x1xf32>
    %div3A = arith.constant 1.280000e+02 : f32
    %div3A_20 = vector.broadcast %div3A : f32 to vector<1024x1xf32>
    %div3A_21 = arith.divf %broadcast_in_dim3A, %div3A_20 : vector<1024x1xf32>
    %sub3A = vector.broadcast %div3A_21 : vector<1024x1xf32> to vector<1024x128xf32>
    %sub3A_22 = arith.subf %max3A_18, %sub3A : vector<1024x128xf32>
    %mul3A_23 = arith.mulf %sub3A_22, %sub3A_22 : vector<1024x128xf32>
    %reduce_sum3A_24 = arith.constant dense<0.000000e+00> : vector<1024xf32>
    %reduce_sum3A_25 = vector.multi_reduction <add>, %mul3A_23, %reduce_sum3A_24 [1] : vector<1024x128xf32> to vector<1024xf32>
    %broadcast_in_dim3A_26 = vector.shape_cast %reduce_sum3A_25 : vector<1024xf32> to vector<1024x1xf32>
    %div3A_27 = arith.constant 1.280000e+02 : f32
    %div3A_28 = vector.broadcast %div3A_27 : f32 to vector<1024x1xf32>
    %div3A_29 = arith.divf %broadcast_in_dim3A_26, %div3A_28 : vector<1024x1xf32>
    %add3A_30 = arith.constant 9.99999974E-6 : f32
    %add3A_31 = vector.broadcast %add3A_30 : f32 to vector<1024x1xf32>
    %add3A_32 = arith.addf %div3A_29, %add3A_31 : vector<1024x1xf32>
    %rsqrt3A = math.rsqrt %add3A_32 : vector<1024x1xf32>
    %mul3A_33 = vector.broadcast %rsqrt3A : vector<1024x1xf32> to vector<1024x128xf32>
    %mul3A_34 = arith.mulf %sub3A_22, %mul3A_33 : vector<1024x128xf32>
    %get3A_35 = arith.constant 0 : index
    %get3A_36 = arith.constant 0 : index
    %get3A_37 = vector.load %arg5[%get3A_35, %get3A_36] : memref<1x128xf32, #tpu.memory_space<vmem>>, vector<1x128xf32>
    %mul3A_38 = vector.broadcast %get3A_37 : vector<1x128xf32> to vector<1024x128xf32>
    %mul3A_39 = arith.mulf %mul3A_34, %mul3A_38 : vector<1024x128xf32>
    %get3A_40 = arith.constant 0 : index
    %get3A_41 = arith.constant 0 : index
    %get3A_42 = vector.load %arg6[%get3A_40, %get3A_41] : memref<1x128xf32, #tpu.memory_space<vmem>>, vector<1x128xf32>
    %add3A_43 = vector.broadcast %get3A_42 : vector<1x128xf32> to vector<1024x128xf32>
    %add3A_44 = arith.addf %mul3A_39, %add3A_43 : vector<1024x128xf32>
    %get3A_45 = arith.constant 0 : index
    %get3A_46 = arith.constant 0 : index
    %get3A_47 = vector.load %arg7[%get3A_45, %get3A_46] : memref<128x128xf32, #tpu.memory_space<vmem>>, vector<128x128xf32>
    %dot_general3A = arith.constant dense<0.000000e+00> : vector<1024x128xf32>
    %dot_general3A_48 = tpu.matmul %add3A_44, %get3A_47, %dot_general3A {dimension_numbers = #tpu.dot_dimension_numbers<[1], [0], [0], [1], [0, 0, 1, 1], [], []>, transpose_lhs_hint = false} : vector<1024x128xf32>, vector<128x128xf32>, vector<1024x128xf32> -> vector<1024x128xf32>
    %mul3A_49 = arith.mulf %dot_general3A_48, %get3A_1 : vector<1024x128xf32>
    %swap3A = arith.constant 0 : index
    %swap3A_50 = arith.constant 0 : index
    %swap3A_51 = vector.load %arg8[%swap3A, %swap3A_50] : memref<1024x128xf32, #tpu.memory_space<vmem>>, vector<1024x128xf32>
    tpu.vector_store %arg8[%swap3A, %swap3A_50], %mul3A_49 {strides = array<i32>} : memref<1024x128xf32, #tpu.memory_space<vmem>>, vector<1024x128xf32>,
    return
  }
  func.func @transform_0(%arg0: i32) -> (i32, i32, i32) {
    %c0_i32 = arith.constant 0 : i32
    %c0_i32_0 = arith.constant 0 : i32
    %c0_i32_1 = arith.constant 0 : i32
    return %c0_i32, %arg0, %c0_i32_0 : i32, i32, i32
  }
  func.func @transform_1(%arg0: i32) -> (i32, i32, i32) {
    %c1_i32 = arith.constant 1 : i32
    %c0_i32 = arith.constant 0 : i32
    %c0_i32_0 = arith.constant 0 : i32
    return %c1_i32, %arg0, %c0_i32 : i32, i32, i32
  }
  func.func @transform_2(%arg0: i32) -> (i32, i32) {
    %c0_i32 = arith.constant 0 : i32
    %c0_i32_0 = arith.constant 0 : i32
    return %arg0, %c0_i32 : i32, i32
  }
  func.func @transform_3(%arg0: i32) -> (i32, i32) {
    %c0_i32 = arith.constant 0 : i32
    %c0_i32_0 = arith.constant 0 : i32
    %c0_i32_1 = arith.constant 0 : i32
    return %c0_i32, %c0_i32_0 : i32, i32
  }
  func.func @transform_4(%arg0: i32) -> (i32, i32) {
    %c0_i32 = arith.constant 0 : i32
    %c0_i32_0 = arith.constant 0 : i32
    %c0_i32_1 = arith.constant 0 : i32
    return %c0_i32, %c0_i32_0 : i32, i32
  }
  func.func @transform_5(%arg0: i32) -> (i32, i32) {
    %c0_i32 = arith.constant 0 : i32
    %c0_i32_0 = arith.constant 0 : i32
    %c0_i32_1 = arith.constant 0 : i32
    return %c0_i32, %c0_i32_0 : i32, i32
  }
  func.func @transform_6(%arg0: i32) -> (i32, i32) {
    %c0_i32 = arith.constant 0 : i32
    %c0_i32_0 = arith.constant 0 : i32
    %c0_i32_1 = arith.constant 0 : i32
    return %c0_i32, %c0_i32_0 : i32, i32
  }
  func.func @transform_7(%arg0: i32) -> (i32, i32) {
    %c0_i32 = arith.constant 0 : i32
    %c0_i32_0 = arith.constant 0 : i32
    return %arg0, %c0_i32 : i32, i32
  }
}

module attributes {stable_mosaic.version = 14 : i64} {
  func.func @body(%arg0: i32, %arg1: memref<1x1024x128xf32, #tpu.memory_space<vmem>>, %arg2: memref<1x1024x128xf32, #tpu.memory_space<vmem>>, %arg3: memref<1024x128xf32, #tpu.memory_space<vmem>>, %arg4: memref<1x128xf32, #tpu.memory_space<vmem>>, %arg5: memref<128x128xf32, #tpu.memory_space<vmem>>, %arg6: memref<1x128xf32, #tpu.memory_space<vmem>>, %arg7: memref<128x40xf32, #tpu.memory_space<vmem>>, %arg8: memref<1x40xf32, #tpu.memory_space<vmem>>, %arg9: memref<1024x128xf32, #tpu.memory_space<vmem>>, %arg10: memref<1024x40xf32, #tpu.memory_space<vmem>>) attributes {dimension_semantics = [#tpu.dimension_semantics<arbitrary>], iteration_bounds = array<i64: 10>, scalar_prefetch = 0 : i64, scratch_operands = 0 : i64, tpu.core_type = #tpu.core_type<tc>, window_params = [{transform_indices = @transform_0, window_bounds = array<i64: 1, 1024, 128>}, {transform_indices = @transform_1, window_bounds = array<i64: 1, 1024, 128>}, {transform_indices = @transform_2, window_bounds = array<i64: 1024, 128>}, {pipeline_mode = #tpu.pipeline_mode<synchronous>, transform_indices = @transform_3, window_bounds = array<i64: 1, 128>}, {pipeline_mode = #tpu.pipeline_mode<synchronous>, transform_indices = @transform_4, window_bounds = array<i64: 128, 128>}, {pipeline_mode = #tpu.pipeline_mode<synchronous>, transform_indices = @transform_5, window_bounds = array<i64: 1, 128>}, {pipeline_mode = #tpu.pipeline_mode<synchronous>, transform_indices = @transform_6, window_bounds = array<i64: 128, 40>}, {pipeline_mode = #tpu.pipeline_mode<synchronous>, transform_indices = @transform_7, window_bounds = array<i64: 1, 40>}, {transform_indices = @transform_8, window_bounds = array<i64: 1024, 128>}, {transform_indices = @transform_9, window_bounds = array<i64: 1024, 40>}]} {
    %get3A = arith.constant 0 : index
    %get3A_0 = arith.constant 0 : index
    %get3A_1 = vector.load %arg3[%get3A, %get3A_0] : memref<1024x128xf32, #tpu.memory_space<vmem>>, vector<1024x128xf32>
    %get3A_2 = arith.constant 0 : index
    %get3A_3 = arith.constant 0 : index
    %get3A_4 = arith.constant 0 : index
    %get3A_5 = vector.load %arg1[%get3A_2, %get3A_3, %get3A_4] : memref<1x1024x128xf32, #tpu.memory_space<vmem>>, vector<1x1024x128xf32>
    %get3A_6 = vector.shape_cast %get3A_5 : vector<1x1024x128xf32> to vector<1024x128xf32>
    %get3A_7 = arith.constant 0 : index
    %get3A_8 = arith.constant 0 : index
    %get3A_9 = arith.constant 0 : index
    %get3A_10 = vector.load %arg2[%get3A_7, %get3A_8, %get3A_9] : memref<1x1024x128xf32, #tpu.memory_space<vmem>>, vector<1x1024x128xf32>
    %get3A_11 = vector.shape_cast %get3A_10 : vector<1x1024x128xf32> to vector<1024x128xf32>
    %add3A = arith.addf %get3A_6, %get3A_11 : vector<1024x128xf32>
    %mul3A = arith.mulf %add3A, %get3A_1 : vector<1024x128xf32>
    %get3A_12 = arith.constant 0 : index
    %get3A_13 = arith.constant 0 : index
    %get3A_14 = vector.load %arg4[%get3A_12, %get3A_13] : memref<1x128xf32, #tpu.memory_space<vmem>>, vector<1x128xf32>
    %add3A_15 = vector.broadcast %get3A_14 : vector<1x128xf32> to vector<1024x128xf32>
    %add3A_16 = arith.addf %mul3A, %add3A_15 : vector<1024x128xf32>
    %swap3A = arith.constant 0 : index
    %swap3A_17 = arith.constant 0 : index
    %swap3A_18 = vector.load %arg9[%swap3A, %swap3A_17] : memref<1024x128xf32, #tpu.memory_space<vmem>>, vector<1024x128xf32>
    tpu.vector_store %arg9[%swap3A, %swap3A_17], %add3A_16 {strides = array<i32>} : memref<1024x128xf32, #tpu.memory_space<vmem>>, vector<1024x128xf32>,
    %max3A = arith.constant 0.000000e+00 : f32
    %max3A_19 = vector.broadcast %max3A : f32 to vector<1024x128xf32>
    %max3A_20 = arith.maximumf %add3A_16, %max3A_19 : vector<1024x128xf32>
    %get3A_21 = arith.constant 0 : index
    %get3A_22 = arith.constant 0 : index
    %get3A_23 = vector.load %arg5[%get3A_21, %get3A_22] : memref<128x128xf32, #tpu.memory_space<vmem>>, vector<128x128xf32>
    %dot_general3A = arith.constant dense<0.000000e+00> : vector<1024x128xf32>
    %dot_general3A_24 = tpu.matmul %max3A_20, %get3A_23, %dot_general3A {dimension_numbers = #tpu.dot_dimension_numbers<[1], [0], [0], [1], [0, 0, 1, 1], [], []>, transpose_lhs_hint = false} : vector<1024x128xf32>, vector<128x128xf32>, vector<1024x128xf32> -> vector<1024x128xf32>
    %get3A_25 = arith.constant 0 : index
    %get3A_26 = arith.constant 0 : index
    %get3A_27 = vector.load %arg6[%get3A_25, %get3A_26] : memref<1x128xf32, #tpu.memory_space<vmem>>, vector<1x128xf32>
    %add3A_28 = vector.broadcast %get3A_27 : vector<1x128xf32> to vector<1024x128xf32>
    %add3A_29 = arith.addf %dot_general3A_24, %add3A_28 : vector<1024x128xf32>
    %get3A_30 = arith.constant 0 : index
    %get3A_31 = arith.constant 0 : index
    %get3A_32 = vector.load %arg7[%get3A_30, %get3A_31] : memref<128x40xf32, #tpu.memory_space<vmem>>, vector<128x40xf32>
    %dot_general3A_33 = arith.constant dense<0.000000e+00> : vector<1024x40xf32>
    %dot_general3A_34 = tpu.matmul %add3A_29, %get3A_32, %dot_general3A_33 {dimension_numbers = #tpu.dot_dimension_numbers<[1], [0], [0], [1], [0, 0, 1, 1], [], []>, transpose_lhs_hint = false} : vector<1024x128xf32>, vector<128x40xf32>, vector<1024x40xf32> -> vector<1024x40xf32>
    %get3A_35 = arith.constant 0 : index
    %get3A_36 = arith.constant 0 : index
    %get3A_37 = vector.load %arg8[%get3A_35, %get3A_36] : memref<1x40xf32, #tpu.memory_space<vmem>>, vector<1x40xf32>
    %add3A_38 = vector.broadcast %get3A_37 : vector<1x40xf32> to vector<1024x40xf32>
    %add3A_39 = arith.addf %dot_general3A_34, %add3A_38 : vector<1024x40xf32>
    %reduce_max3A = arith.constant dense<0xFF800000> : vector<1024xf32>
    %reduce_max3A_40 = vector.multi_reduction <maximumf>, %add3A_39, %reduce_max3A [1] : vector<1024x40xf32> to vector<1024xf32>
    %broadcast_in_dim3A = vector.shape_cast %reduce_max3A_40 : vector<1024xf32> to vector<1024x1xf32>
    %sub3A = vector.broadcast %broadcast_in_dim3A : vector<1024x1xf32> to vector<1024x40xf32>
    %sub3A_41 = arith.subf %add3A_39, %sub3A : vector<1024x40xf32>
    %exp3A = math.exp %sub3A_41 : vector<1024x40xf32>
    %reduce_sum3A = arith.constant dense<0.000000e+00> : vector<1024xf32>
    %reduce_sum3A_42 = vector.multi_reduction <add>, %exp3A, %reduce_sum3A [1] : vector<1024x40xf32> to vector<1024xf32>
    %broadcast_in_dim3A_43 = vector.shape_cast %reduce_sum3A_42 : vector<1024xf32> to vector<1024x1xf32>
    %log3A = math.log %broadcast_in_dim3A_43 : vector<1024x1xf32>
    %sub3A_44 = vector.broadcast %broadcast_in_dim3A : vector<1024x1xf32> to vector<1024x40xf32>
    %sub3A_45 = arith.subf %add3A_39, %sub3A_44 : vector<1024x40xf32>
    %sub3A_46 = vector.broadcast %log3A : vector<1024x1xf32> to vector<1024x40xf32>
    %sub3A_47 = arith.subf %sub3A_45, %sub3A_46 : vector<1024x40xf32>
    %swap3A_48 = arith.constant 0 : index
    %swap3A_49 = arith.constant 0 : index
    %swap3A_50 = vector.load %arg10[%swap3A_48, %swap3A_49] : memref<1024x40xf32, #tpu.memory_space<vmem>>, vector<1024x40xf32>
    tpu.vector_store %arg10[%swap3A_48, %swap3A_49], %sub3A_47 {strides = array<i32>} : memref<1024x40xf32, #tpu.memory_space<vmem>>, vector<1024x40xf32>,
    return
  }
  func.func @transform_0(%arg0: i32) -> (i32, i32, i32) {
    %c0_i32 = arith.constant 0 : i32
    %c0_i32_0 = arith.constant 0 : i32
    %c0_i32_1 = arith.constant 0 : i32
    return %c0_i32, %arg0, %c0_i32_0 : i32, i32, i32
  }
  func.func @transform_1(%arg0: i32) -> (i32, i32, i32) {
    %c1_i32 = arith.constant 1 : i32
    %c0_i32 = arith.constant 0 : i32
    %c0_i32_0 = arith.constant 0 : i32
    return %c1_i32, %arg0, %c0_i32 : i32, i32, i32
  }
  func.func @transform_2(%arg0: i32) -> (i32, i32) {
    %c0_i32 = arith.constant 0 : i32
    %c0_i32_0 = arith.constant 0 : i32
    return %arg0, %c0_i32 : i32, i32
  }
  func.func @transform_3(%arg0: i32) -> (i32, i32) {
    %c0_i32 = arith.constant 0 : i32
    %c0_i32_0 = arith.constant 0 : i32
    %c0_i32_1 = arith.constant 0 : i32
    return %c0_i32, %c0_i32_0 : i32, i32
  }
  func.func @transform_4(%arg0: i32) -> (i32, i32) {
    %c0_i32 = arith.constant 0 : i32
    %c0_i32_0 = arith.constant 0 : i32
    %c0_i32_1 = arith.constant 0 : i32
    return %c0_i32, %c0_i32_0 : i32, i32
  }
  func.func @transform_5(%arg0: i32) -> (i32, i32) {
    %c0_i32 = arith.constant 0 : i32
    %c0_i32_0 = arith.constant 0 : i32
    %c0_i32_1 = arith.constant 0 : i32
    return %c0_i32, %c0_i32_0 : i32, i32
  }
  func.func @transform_6(%arg0: i32) -> (i32, i32) {
    %c0_i32 = arith.constant 0 : i32
    %c0_i32_0 = arith.constant 0 : i32
    %c0_i32_1 = arith.constant 0 : i32
    return %c0_i32, %c0_i32_0 : i32, i32
  }
  func.func @transform_7(%arg0: i32) -> (i32, i32) {
    %c0_i32 = arith.constant 0 : i32
    %c0_i32_0 = arith.constant 0 : i32
    %c0_i32_1 = arith.constant 0 : i32
    return %c0_i32, %c0_i32_0 : i32, i32
  }
  func.func @transform_8(%arg0: i32) -> (i32, i32) {
    %c0_i32 = arith.constant 0 : i32
    %c0_i32_0 = arith.constant 0 : i32
    return %arg0, %c0_i32 : i32, i32
  }
  func.func @transform_9(%arg0: i32) -> (i32, i32) {
    %c0_i32 = arith.constant 0 : i32
    %c0_i32_0 = arith.constant 0 : i32
    return %arg0, %c0_i32 : i32, i32
  }
}

</mosaic_0001>

<sc_bundles>
// kernel: kernel.11.cloned.1.call-start
scs
__scs_entry_jumppad:
0x0: {  	(pc) =	sbr.rel $0x88, $3  }
0x1: {  	(tag) =	ssettag $0x0;
	lr =	simm.s32 $0x1  }
0x2: {  	[smem:$0x3F91] =	sst lr;
	_ =	strace $0xD0000000  }
0x3: {  	_ = 	snop  }
0x4: {  	_ = 	snop  }
0x5: {  	_ = 	snop  }
0x6: {  	_ = 	snop  }
0x7: {  	_ = 	snop  }
__scs_overlays_trampoline_lowered:
0x8: {  	[smem:$0x3FA0] =	sst s0  }
0x9: {  	[smem:$0x3FA1] =	sst s1  }
0xa: {  	[smem:$0x3FA2] =	sst s2  }
0xb: {  	[smem:$0x3FA3] =	sst s3  }
0xc: {  	[smem:$0x3FA4] =	sst s4  }
0xd: {  	[smem:$0x3FA5] =	sst s5  }
0xe: {  	[smem:$0x3FA6] =	sst s6  }
0xf: {  	[smem:$0x3FA7] =	sst s7  }
0x10: {  	[smem:$0x3FA8] =	sst s8  }
0x11: {  	[smem:$0x3FA9] =	sst s9;
	s0 =	simm.s32 @!p0 $0x0  }
0x12: {  	s1 =	sld [smem:$0x3F8F];
	s0 =	simm.s32 @p0 $0x1  }
0x13: {  	[smem:$0x3FAA] =	sst s0;
	s0 =	simm.s32 @!p1 $0x0  }
0x14: {  	s2 =	sld [smem:$0x3F8E];
	s0 =	simm.s32 @p1 $0x1  }
0x15: {  	[smem:$0x3FAB] =	sst s0;
	s0 =	simm.s32 @!p2 $0x0  }
0x16: {  	s3 =	sld [smem:$0x3FDB];
	s0 =	simm.s32 @p2 $0x1  }
0x17: {  	s4 =	simm.s32 $0x1BF5;
	[smem:$0x3FAD] =	sst s0  }
0x18: {  	s0 =	sld [smem:$0x3F90];
	_ =	swait.ge [sflag:s4], $0x0  }
0x19: {  	s7 =	sld [smem:$0x3F91]  }
0x1a: {  	s8 =	sadd.s32 $0xFFFFE003, lr  }
0x1b: {  	s9 =	sadd.s32 $0xFFFFFEF7, lr;
	s5 =	simm.s32 $0xFFFFFFFF;
	p2 =	slt.u32 s8, $0xFFFFF086  }
0x1c: {  	p1 =	slt.u32 s9, $0xF7A;
	s5 =	simm.s32 @!p2 $0x0  }
0x1d: {  	s5 =	simm.s32 @p1 $0x1;
	p0 =	seq.s32 s7, s2  }
0x1e: {  	s7 =	smul.u32 @!p0 $0xF7A, s2;
	p2 =	seq.s32 @!p0 s5, $0x0  }
0x1f: {  	s9 =	smul.u32 $0xF7A, s1;
	s8 =	simm.s32 @!p0 $0x1BF5;
	p2 =	por !p2, p0  }
0x20: {  	[sflag:s8] =	ssyncset.s32 @!p0 $0xFFFFF086;
	s6 =	sadd.s32 @!p0 s3, s7;
	s7 =	simm.s32 @!p0 $0x108  }
0x21: {  	s3 =	sadd.s32 s3, s9;
	s6 =	sadd.s32 @!p0 $0x88, s6;
	s7 =	simm.s32 @p2 $0x1082  }
0x22: {  	[simem:s7], [sflag:s8] =	dma.local @!p0 [hbm:s6], $0xF7A  }
0x23: {  	s9 =	sor.u32 $0xD0000000, s2;
	s6 =	simm.s32 $0x108;
	_ =	swait.ge @!p0 [sflag:s8], $0x0  }
0x24: {  	s3 =	sadd.s32 $0x88, s3;
	s6 =	simm.s32 @!p1 $0x1082;
	[sflag:s4] =	ssyncset.s32 $0xFFFFF086  }
0x25: {  	[simem:s6], [sflag:s4] =	dma.local [hbm:s3], $0xF7A  }
0x26: {  	[smem:$0x3F91] =	sst s1;
	(tag) =	ssettag s2;
	_ =	strace s9  }
0x27: {  	s1 =	sld [smem:$0x3FA1]  }
0x28: {  	s2 =	sld [smem:$0x3FA2]  }
0x29: {  	s4 =	sld [smem:$0x3FA4]  }
0x2a: {  	p0 =	seq.s32 s5, $0x0;
	s5 =	sld [smem:$0x3FA5]  }
0x2b: {  	s6 =	sld [smem:$0x3FA6]  }
0x2c: {  	s7 =	sld [smem:$0x3FA7]  }
0x2d: {  	s3 =	simm.s32 $0x108;
	s8 =	sld [smem:$0x3FA8]  }
0x2e: {  	s3 =	simm.s32 @!p0 $0x1082;
	s9 =	sld [smem:$0x3FA9]  }
0x2f: {  	lr =	sadd.s32 s0, s3;
	s0 =	sld [smem:$0x3FA0]  }
0x30: {  	s3 =	sld [smem:$0x3FA3]  }
0x31: {  	[smem:$0x3FAC] =	sst s10  }
0x32: {  	s10 =	sld [smem:$0x3FAA];
	_ =	sdelay $0x3  }
0x33: {  	p0 =	seq.s32 s10, $0x1;
	s10 =	sld [smem:$0x3FAC];
	_ =	sdelay $0x3  }
0x34: {  	[smem:$0x3FAC] =	sst s10  }
0x35: {  	s10 =	sld [smem:$0x3FAB];
	_ =	sdelay $0x3  }
0x36: {  	p1 =	seq.s32 s10, $0x1;
	s10 =	sld [smem:$0x3FAC];
	_ =	sdelay $0x3  }
0x37: {  	[smem:$0x3FAC] =	sst s10  }
0x38: {  	s10 =	sld [smem:$0x3FAD]  }
0x39: {  	_ = 	snop;
	(pc) =	sbr.ind lr, $3  }
0x3a: {  	_ = 	snop  }
0x3b: {  	_ = 	snop  }
0x3c: {  	p2 =	seq.s32 s10, $0x1;
	s10 =	sld [smem:$0x3FAC]  }
0x3d: {  	_ =	shalt  }
0x3e: {  	_ =	shalt  }
0x3f: {  	_ =	shalt  }
0x40: {  	_ =	shalt  }
0x41: {  	_ =	shalt  }
0x42: {  	_ =	shalt  }
0x43: {  	_ =	shalt  }
0x44: {  	_ =	shalt  }
0x45: {  	_ =	shalt  }
0x46: {  	_ =	shalt  }
0x47: {  	_ =	shalt  }
0x48: {  	_ =	shalt  }
0x49: {  	_ =	shalt  }
0x4a: {  	_ =	shalt  }
0x4b: {  	_ =	shalt  }
0x4c: {  	_ =	shalt  }
0x4d: {  	_ =	shalt  }
0x4e: {  	_ =	shalt  }
0x4f: {  	_ =	shalt  }
0x50: {  	_ =	shalt  }
0x51: {  	_ =	shalt  }
0x52: {  	_ =	shalt  }
0x53: {  	_ =	shalt  }
0x54: {  	_ =	shalt  }
0x55: {  	_ =	shalt  }
0x56: {  	_ =	shalt  }
0x57: {  	_ =	shalt  }
0x58: {  	_ =	shalt  }
0x59: {  	_ =	shalt  }
0x5a: {  	_ =	shalt  }
0x5b: {  	_ =	shalt  }
0x5c: {  	_ =	shalt  }
0x5d: {  	_ =	shalt  }
0x5e: {  	_ =	shalt  }
0x5f: {  	_ =	shalt  }
0x60: {  	_ =	shalt  }
0x61: {  	_ =	shalt  }
0x62: {  	_ =	shalt  }
0x63: {  	_ =	shalt  }
0x64: {  	_ =	shalt  }
0x65: {  	_ =	shalt  }
0x66: {  	_ =	shalt  }
0x67: {  	_ =	shalt  }
0x68: {  	_ =	shalt  }
0x69: {  	_ =	shalt  }
0x6a: {  	_ =	shalt  }
0x6b: {  	_ =	shalt  }
0x6c: {  	_ =	shalt  }
0x6d: {  	_ =	shalt  }
0x6e: {  	_ =	shalt  }
0x6f: {  	_ =	shalt  }
0x70: {  	_ =	shalt  }
0x71: {  	_ =	shalt  }
0x72: {  	_ =	shalt  }
0x73: {  	_ =	shalt  }
0x74: {  	_ =	shalt  }
0x75: {  	_ =	shalt  }
0x76: {  	_ =	shalt  }
0x77: {  	_ =	shalt  }
0x78: {  	_ =	shalt  }
0x79: {  	_ =	shalt  }
0x7a: {  	_ =	shalt  }
0x7b: {  	_ =	shalt  }
0x7c: {  	_ =	shalt  }
0x7d: {  	_ =	shalt  }
0x7e: {  	_ =	shalt  }
0x7f: {  	_ =	shalt  }
0x80: {  	_ =	shalt  }
0x81: {  	_ =	shalt  }
0x82: {  	_ =	shalt  }
0x83: {  	_ =	shalt  }
0x84: {  	_ =	shalt  }
0x85: {  	_ =	shalt  }
0x86: {  	_ =	shalt  }
0x87: {  	_ =	shalt  }
.Lfunc_end0:
.L_simem_size_0:
called_computation_lowered:
.L_overlay_start_0:
0x88: {  	s2 =	sld [smem:$0x3FD9]  }
0x89: {  	s3 =	sld [smem:$0x3FFE];
	_ =	sdelay $0x1  }
0x8a: {  	s1 =	srdreg.scid  }
0x8b: {  	s0 =	sand.u32 $0x1, s1  }
0x8c: {  	s14 =	sshll.u32 s0, $0xA;
	s2 =	sadd.s32 s3, s2  }
0x8d: {  	s2 =	sadd.s32 s2, s14  }
0x8e: {  	[smem:$0x3FB8] =	sst s2  }
0x8f: {  	_ = 	snop  }
0x90: {  	s2 =	sld [smem:$0x3FD0];
	_ =	sdelay $0x2  }
0x91: {  	s15 =	simm.s32 $0xA;
	s4 =	simm.s32 $0x10  }
0x92: {  	[smem:s4], [sflag:s15] =	dma.local [hbm:s2], $0x1  }
0x93: {  	_ =	swait.eq [sflag:s15], $0x1  }
0x94: {  	[sflag:s15] =	ssyncset.done $0x0  }
0x95: {  	[sflag:s15] =	ssyncadd.s32 $0xFFFFFFFF  }
0x96: {  	s16 =	sld [smem:$0x10];
	(tm) =	ssettm $0x1  }
0x97: {  	s17 =	sld [smem:$0x3FFB];
	_ =	sdelay $0x3  }
0x98: {  	_ =	strace s17  }
0x99: {  	s3 =	sld [smem:$0x3FFC];
	_ =	sdelay $0x3  }
0x9a: {  	_ =	strace s3  }
0x9b: {  	s3 =	sld [smem:$0x3FFD];
	_ =	sdelay $0x3  }
0x9c: {  	_ =	strace s3  }
0x9d: {  	_ =	strace $0x8FFFFFFF  }
0x9e: {  	s18 =	sld [smem:$0x3FDB];
	_ =	sdelay $0x1  }
0x9f: {  	s19 =	simm.s32 $_scs_section_size  }
0xa0: {  	s5 =	simm.s32 $_size__tile_overlayer_lowered;
	s6 =	simm.s32 $_tile_overlayer_lowered  }
0xa1: {  	s22 =	simm.s32 $0x1BFF;
	s21 =	sshll.u32 s6, $0x1;
	s3 =	sadd.s32 s19, s18  }
0xa2: {  	s7 =	simm.s32 $0x0;
	s20 =	sshll.u32 s5, $0x1;
	s5 =	sadd.s32 s21, s3  }
0xa3: {  	[timem:s7], [sflag:s22] =	dma.local [hbm:s5], s20  }
0xa4: {  	_ =	swait.ge [sflag:s22], s20  }
0xa5: {  	s4 =	ssub.s32 $0x0, s20;
	[sflag:s22] =	ssyncset.done $0x0  }
0xa6: {  	[sflag:s22] =	ssyncadd.s32 s4;
	_ =	sdelay $0x1  }
0xa7: {  	s23 =	simm.s32 $0x1B8B  }
0xa8: {  	_ =	swait.ge [sflag:s23], $0x1  }
0xa9: {  	[sflag:s23] =	ssyncset.done $0x0  }
0xaa: {  	s25 =	simm.s32 $0x1B8E;
	s24 =	sld [smem:$0x3FFE];
	[sflag:s23] =	ssyncadd.s32 $0xFFFFFFFF  }
0xab: {  	s26 =	simm.s32 $execute0_lowered;
	[smem:$0x3FD2] =	sst s25  }
0xac: {  	s5 =	sshll.u32 s26, $0x1;
	_ =	strace $0x80000046;
	[dreg:$0x1] =	wrdreg $0xFFFFFFFF  }
0xad: {  	s28 =	simm.s32 $_size_execute0_lowered;
	s3 =	sadd.s32 s3, s5;
	[dreg:$0x0] =	wrdreg $0x0  }
0xae: {  	s5 =	sshll.u32 s28, $0x1;
	[dreg:$0x2] =	wrdreg s3  }
0xaf: {  	[dreg:$0x3] =	wrdreg s5  }
0xb0: {  	[dreg:$0x4] =	wrdreg $0xC0  }
0xb1: {  	_ =	task [dreg:s7], $0x5FFFF  }
0xb2: {  	[dreg:$0x1] =	wrdreg $0xFFFFFFFF  }
0xb3: {  	[dreg:$0x0] =	wrdreg $0x60  }
0xb4: {  	[dreg:$0x2] =	wrdreg s16  }
0xb5: {  	[dreg:$0x3] =	wrdreg s24  }
0xb6: {  	[dreg:$0x4] =	wrdreg $0x9  }
0xb7: {  	_ =	task.clear_ibuf [dreg:s7], $0x5FFFF;
	_ =	strace $0x90000046  }
0xb8: {  	s29 =	simm.s32 $0x9;
	_ =	strace $0x80000048  }
0xb9: {  	_ =	swait.ge [sflag:s29], $0x1  }
0xba: {  	[sflag:s29] =	ssyncadd.s32 $0xFFFFFFFF  }
0xbb: {  	_ =	strace $0x90000048  }
0xbc: {  	_ =	sfence  }
0xbd: {  	s30 =	sld [smem:$0x0];
	_ =	sdelay $0x2  }
0xbe: {  	s31 =	sshll.u32 s1, $0xD;
	s1 =	sshrl.u32 s1, $0x2  }
0xbf: {  	s3 =	sand.u32 $0x4000, s31;
	s1 =	sadd.s32 s1, s30  }
0xc0: {  	s0 =	sor.u32 s3, s0;
	s1 =	sshll.u32 s1, $0x11  }
0xc1: {  	s0 =	sor.u32 s1, s0  }
0xc2: {  	s0 =	sadd.s32 $0x8F2B, s0  }
0xc3: {  	[sflag:s0] =	ssyncadd.remote.s32 $0x1  }
0xc4: {  	_ =	sfence.sel $0xFFFF  }
0xc5: {  	[dreg:$0x0] =	wrdreg $0xFFFFFFFF;
	(pc) =	sbr.abs _section_cstart, $3  }
0xc6: {  	[dreg:$0x1] =	wrdreg $0xFFFFFFFF  }
0xc7: {  	_ =	task.clear_ibuf [dreg:s7], $0x2FFFF;
	_ =	strace $0x9FFFFFFF  }
0xc8: {  	(tm) =	ssettm $0x7FFFFFFF  }
0xc9: {  	_ =	shalt  }
tec
execute0_lowered:
.L_overlay_start_1:
0x0: {  	(tag) =	ssettag $0x1  }
0x1: {  	s0 =	srdreg.scid;
	s5 =	rddreg [dreg:$0x0]  }
0x2: {  	s6 =	rddreg [dreg:$0x1];
	s4 =	sand.u32 $0x1, s0  }
0x3: {  	s2 =	simm.s32 $0x0;
	s0 =	stileid.u32;
	s1 =	sshll.u32 s4, $0x4  }
0x4: {  	s10 =	simm.s32 $0x400;
	s11 =	simm.s32 $0x0;
	s3 =	sor.u32 s0, s1  }
0x5: {  	[smem:$0x7FF] =	sst s2;
	s8 =	sshll.u32 s0, $0x7;
	s7 =	sshrl.u32 s3, $0x3  }
0x6: {  	s4 =	ssub.s32 $0x2, s4;
	s1 =	rddreg [dreg:$0x2];
	s7 =	smul.u32 $0x14800, s7  }
0x7: {  	_ =	strace $0x80000047;
	s8 =	sand.u32 $0x380, s8;
	s9 =	smul.u32 $0x500, s3  }
0x8: {  	s31 =	sshrl.u32 s4, $0x1;
	s3 =	sadd.s32 $0x3A00, s6;
	s7 =	sor.u32 s8, s7  }
0x9: {  	s6 =	sadd.s32 s9, s6;
	s9 =	simm.s32 $0x80;
	s7 =	sshrl.u32 s7, $0x3  }
0xa: {  	s8 =	ssub.s32 s4, s31;
	s4 =	sadd.s32 s5, s7;
	s5 =	sadd.s32 $0x4000, s6  }
0xb: {  	v0 =	vimm.f32 $1.000000000e+00;
	s6 =	smax.u32 s8, $0x1;
	s7 =	simm.s32 $0x2900;
	s8 =	simm.s32 $0x1  }
.LBB2_1:
0xc: {  	[tilespmem:s7], [sflag:$0x1] =	stream.linear.gather [hbm4b:s3+s2], $0x2800, $0x38;
	[tilespmem:$0x5100] =	vst v63  }
0xd: {  	_ =	swait.ge [sflag:s8], $0x2800  }
0xe: {  	[sflag:s8] =	ssyncset.done $0x0  }
0xf: {  	[sflag:s8] =	ssyncadd.s32 $0xFFFFD800  }
0x10: {  	[tilespmem:s2], [sflag:$0x1] =	stream.strided.gather [hbm4b:s4+s9], $0x2900, s10, s9, $0x38;
	[tilespmem:$0x5100] =	vst v63  }
0x11: {  	_ =	swait.ge [sflag:s8], $0x2900  }
0x12: {  	[sflag:s8] =	ssyncset.done $0x0  }
0x13: {  	s13 =	simm.s32 $0x0;
	s12 =	simm.s32 $0x40;
	[sflag:s8] =	ssyncadd.s32 $0xFFFFD700  }
.LBB2_2:
0x14: {  	p0 =	sne.s32 s12, $0xA3C0;
	v1 =	vld [tilespmem:s13+$0x0];
	_ =	sdelay $0x3  }
.Ltmp0:
0x15: {  	(pc) =	sbr.rel @p0 .LBB2_2-.Ltmp0, $2  }
0x16: {  	_ =	sdelay $0x2  }
0x17: {  	s13 =	sshra.s32 s12, $0x2;
	s12 =	sadd.s32 $0x40, s12;
	[tilespmem:v1+s7+$0x0] =	vst.idx.add.f32.msk $0xffff, v0  }
0x18: {  	v1 =	vld [tilespmem:s13+$0x0];
	_ =	sdelay $0x5  }
0x19: {  	s11 =	sadd.s32 $0x1, s11  }
0x1a: {  	p0 =	sne.s32 s11, s6  }
.Ltmp1:
0x1b: {  	[tilespmem:v1+s7+$0x0] =	vst.idx.add.f32.msk $0xffff, v0;
	(pc) =	sbr.rel @p0 .LBB2_1-.Ltmp1, $4  }
0x1c: {  	[hbm4b:s5+s2] =	stream.linear.scatter [tilespmem:s7], [sflag:$0x1], $0x2800, $0x38;
	[tilespmem:$0x5100] =	vst v63  }
0x1d: {  	_ =	swait.ge [sflag:s8], $0x2800  }
0x1e: {  	[sflag:s8] =	ssyncset.done $0x0  }
0x1f: {  	[sflag:s8] =	ssyncadd.s32 $0xFFFFD800  }
0x20: {  	_ =	sfence.sel $0x180000  }
0x21: {  	[bflag:$0x0] =	sbarrier.arrive $0xFFFF  }
0x22: {  	p0 =	sne.s32 s0, $0x0;
	_ =	strace $0x90000047  }
0x23: {  	s0 =	sadd.s32 @!p0 $0x100000, s1;
	[bflag:$0x2] =	sbarrier.arrive $0xFFFF  }
0x24: {  	[sflag:s0] =	ssyncadd.tile.s32 @!p0 $0x1;
	_ =	shalt  }
.Lfunc_end2:
_tile_overlayer_lowered:
.L_overlay_start_2:
0x25: {  	(tag) =	ssettag $0x2  }
0x26: {  	s0 =	rddreg [dreg:$0x0];
	s2 =	stileid.u32  }
0x27: {  	s1 =	rddreg [dreg:$0x1];
	p0 =	sne.s32 s2, $0x0  }
0x28: {  	s3 =	rddreg [dreg:$0x2];
	[bflag:$0x3] =	sbarrier.arrive $0xFFFF;
	s2 =	simm.s32 @!p0 $0x1C01  }
0x29: {  	[timem:s3], [sflag:s2] =	dma.local @!p0 [hbm:s0], s1  }
0x2a: {  	s0 =	simm.s32 @!p0 $0x1  }
0x2b: {  	_ =	swait.ge @!p0 [sflag:s0], s1  }
0x2c: {  	s1 =	ssub.s32 @!p0 $0x0, s1;
	[sflag:s0] =	ssyncset.done @!p0 $0x0  }
0x2d: {  	[sflag:s0] =	ssyncadd.s32 @!p0 s1  }
0x2e: {  	[bflag:$0x3] =	sbarrier.arrive $0xFFFF  }
0x2f: {  	_ =	shalt  }

// kernel: kernel.14.cloned.1.call-start
scs
__scs_entry_jumppad:
0x0: {  	(pc) =	sbr.rel $0x88, $3  }
0x1: {  	(tag) =	ssettag $0x0;
	lr =	simm.s32 $0x1  }
0x2: {  	[smem:$0x3F91] =	sst lr;
	_ =	strace $0xD0000000  }
0x3: {  	_ = 	snop  }
0x4: {  	_ = 	snop  }
0x5: {  	_ = 	snop  }
0x6: {  	_ = 	snop  }
0x7: {  	_ = 	snop  }
__scs_overlays_trampoline_lowered:
0x8: {  	[smem:$0x3FA0] =	sst s0  }
0x9: {  	[smem:$0x3FA1] =	sst s1  }
0xa: {  	[smem:$0x3FA2] =	sst s2  }
0xb: {  	[smem:$0x3FA3] =	sst s3  }
0xc: {  	[smem:$0x3FA4] =	sst s4  }
0xd: {  	[smem:$0x3FA5] =	sst s5  }
0xe: {  	[smem:$0x3FA6] =	sst s6  }
0xf: {  	[smem:$0x3FA7] =	sst s7  }
0x10: {  	[smem:$0x3FA8] =	sst s8  }
0x11: {  	[smem:$0x3FA9] =	sst s9;
	s0 =	simm.s32 @!p0 $0x0  }
0x12: {  	s1 =	sld [smem:$0x3F8F];
	s0 =	simm.s32 @p0 $0x1  }
0x13: {  	[smem:$0x3FAA] =	sst s0;
	s0 =	simm.s32 @!p1 $0x0  }
0x14: {  	s2 =	sld [smem:$0x3F8E];
	s0 =	simm.s32 @p1 $0x1  }
0x15: {  	[smem:$0x3FAB] =	sst s0;
	s0 =	simm.s32 @!p2 $0x0  }
0x16: {  	s3 =	sld [smem:$0x3FDB];
	s0 =	simm.s32 @p2 $0x1  }
0x17: {  	s4 =	simm.s32 $0x1BF5;
	[smem:$0x3FAD] =	sst s0  }
0x18: {  	s0 =	sld [smem:$0x3F90];
	_ =	swait.ge [sflag:s4], $0x0  }
0x19: {  	s7 =	sld [smem:$0x3F91]  }
0x1a: {  	s8 =	sadd.s32 $0xFFFFE003, lr  }
0x1b: {  	s9 =	sadd.s32 $0xFFFFFEF7, lr;
	s5 =	simm.s32 $0xFFFFFFFF;
	p2 =	slt.u32 s8, $0xFFFFF086  }
0x1c: {  	p1 =	slt.u32 s9, $0xF7A;
	s5 =	simm.s32 @!p2 $0x0  }
0x1d: {  	s5 =	simm.s32 @p1 $0x1;
	p0 =	seq.s32 s7, s2  }
0x1e: {  	s7 =	smul.u32 @!p0 $0xF7A, s2;
	p2 =	seq.s32 @!p0 s5, $0x0  }
0x1f: {  	s9 =	smul.u32 $0xF7A, s1;
	s8 =	simm.s32 @!p0 $0x1BF5;
	p2 =	por !p2, p0  }
0x20: {  	[sflag:s8] =	ssyncset.s32 @!p0 $0xFFFFF086;
	s6 =	sadd.s32 @!p0 s3, s7;
	s7 =	simm.s32 @!p0 $0x108  }
0x21: {  	s3 =	sadd.s32 s3, s9;
	s6 =	sadd.s32 @!p0 $0x88, s6;
	s7 =	simm.s32 @p2 $0x1082  }
0x22: {  	[simem:s7], [sflag:s8] =	dma.local @!p0 [hbm:s6], $0xF7A  }
0x23: {  	s9 =	sor.u32 $0xD0000000, s2;
	s6 =	simm.s32 $0x108;
	_ =	swait.ge @!p0 [sflag:s8], $0x0  }
0x24: {  	s3 =	sadd.s32 $0x88, s3;
	s6 =	simm.s32 @!p1 $0x1082;
	[sflag:s4] =	ssyncset.s32 $0xFFFFF086  }
0x25: {  	[simem:s6], [sflag:s4] =	dma.local [hbm:s3], $0xF7A  }
0x26: {  	[smem:$0x3F91] =	sst s1;
	(tag) =	ssettag s2;
	_ =	strace s9  }
0x27: {  	s1 =	sld [smem:$0x3FA1]  }
0x28: {  	s2 =	sld [smem:$0x3FA2]  }
0x29: {  	s4 =	sld [smem:$0x3FA4]  }
0x2a: {  	p0 =	seq.s32 s5, $0x0;
	s5 =	sld [smem:$0x3FA5]  }
0x2b: {  	s6 =	sld [smem:$0x3FA6]  }
0x2c: {  	s7 =	sld [smem:$0x3FA7]  }
0x2d: {  	s3 =	simm.s32 $0x108;
	s8 =	sld [smem:$0x3FA8]  }
0x2e: {  	s3 =	simm.s32 @!p0 $0x1082;
	s9 =	sld [smem:$0x3FA9]  }
0x2f: {  	lr =	sadd.s32 s0, s3;
	s0 =	sld [smem:$0x3FA0]  }
0x30: {  	s3 =	sld [smem:$0x3FA3]  }
0x31: {  	[smem:$0x3FAC] =	sst s10  }
0x32: {  	s10 =	sld [smem:$0x3FAA];
	_ =	sdelay $0x3  }
0x33: {  	p0 =	seq.s32 s10, $0x1;
	s10 =	sld [smem:$0x3FAC];
	_ =	sdelay $0x3  }
0x34: {  	[smem:$0x3FAC] =	sst s10  }
0x35: {  	s10 =	sld [smem:$0x3FAB];
	_ =	sdelay $0x3  }
0x36: {  	p1 =	seq.s32 s10, $0x1;
	s10 =	sld [smem:$0x3FAC];
	_ =	sdelay $0x3  }
0x37: {  	[smem:$0x3FAC] =	sst s10  }
0x38: {  	s10 =	sld [smem:$0x3FAD]  }
0x39: {  	_ = 	snop;
	(pc) =	sbr.ind lr, $3  }
0x3a: {  	_ = 	snop  }
0x3b: {  	_ = 	snop  }
0x3c: {  	p2 =	seq.s32 s10, $0x1;
	s10 =	sld [smem:$0x3FAC]  }
0x3d: {  	_ =	shalt  }
0x3e: {  	_ =	shalt  }
0x3f: {  	_ =	shalt  }
0x40: {  	_ =	shalt  }
0x41: {  	_ =	shalt  }
0x42: {  	_ =	shalt  }
0x43: {  	_ =	shalt  }
0x44: {  	_ =	shalt  }
0x45: {  	_ =	shalt  }
0x46: {  	_ =	shalt  }
0x47: {  	_ =	shalt  }
0x48: {  	_ =	shalt  }
0x49: {  	_ =	shalt  }
0x4a: {  	_ =	shalt  }
0x4b: {  	_ =	shalt  }
0x4c: {  	_ =	shalt  }
0x4d: {  	_ =	shalt  }
0x4e: {  	_ =	shalt  }
0x4f: {  	_ =	shalt  }
0x50: {  	_ =	shalt  }
0x51: {  	_ =	shalt  }
0x52: {  	_ =	shalt  }
0x53: {  	_ =	shalt  }
0x54: {  	_ =	shalt  }
0x55: {  	_ =	shalt  }
0x56: {  	_ =	shalt  }
0x57: {  	_ =	shalt  }
0x58: {  	_ =	shalt  }
0x59: {  	_ =	shalt  }
0x5a: {  	_ =	shalt  }
0x5b: {  	_ =	shalt  }
0x5c: {  	_ =	shalt  }
0x5d: {  	_ =	shalt  }
0x5e: {  	_ =	shalt  }
0x5f: {  	_ =	shalt  }
0x60: {  	_ =	shalt  }
0x61: {  	_ =	shalt  }
0x62: {  	_ =	shalt  }
0x63: {  	_ =	shalt  }
0x64: {  	_ =	shalt  }
0x65: {  	_ =	shalt  }
0x66: {  	_ =	shalt  }
0x67: {  	_ =	shalt  }
0x68: {  	_ =	shalt  }
0x69: {  	_ =	shalt  }
0x6a: {  	_ =	shalt  }
0x6b: {  	_ =	shalt  }
0x6c: {  	_ =	shalt  }
0x6d: {  	_ =	shalt  }
0x6e: {  	_ =	shalt  }
0x6f: {  	_ =	shalt  }
0x70: {  	_ =	shalt  }
0x71: {  	_ =	shalt  }
0x72: {  	_ =	shalt  }
0x73: {  	_ =	shalt  }
0x74: {  	_ =	shalt  }
0x75: {  	_ =	shalt  }
0x76: {  	_ =	shalt  }
0x77: {  	_ =	shalt  }
0x78: {  	_ =	shalt  }
0x79: {  	_ =	shalt  }
0x7a: {  	_ =	shalt  }
0x7b: {  	_ =	shalt  }
0x7c: {  	_ =	shalt  }
0x7d: {  	_ =	shalt  }
0x7e: {  	_ =	shalt  }
0x7f: {  	_ =	shalt  }
0x80: {  	_ =	shalt  }
0x81: {  	_ =	shalt  }
0x82: {  	_ =	shalt  }
0x83: {  	_ =	shalt  }
0x84: {  	_ =	shalt  }
0x85: {  	_ =	shalt  }
0x86: {  	_ =	shalt  }
0x87: {  	_ =	shalt  }
.Lfunc_end0:
.L_simem_size_0:
called_computation.1_lowered:
.L_overlay_start_0:
0x88: {  	s2 =	sld [smem:$0x3FD9]  }
0x89: {  	s3 =	sld [smem:$0x3FFE];
	_ =	sdelay $0x1  }
0x8a: {  	s1 =	srdreg.scid  }
0x8b: {  	s0 =	sand.u32 $0x1, s1  }
0x8c: {  	s14 =	sshll.u32 s0, $0xA;
	s2 =	sadd.s32 s3, s2  }
0x8d: {  	s2 =	sadd.s32 s2, s14  }
0x8e: {  	[smem:$0x3FB8] =	sst s2  }
0x8f: {  	_ = 	snop  }
0x90: {  	s2 =	sld [smem:$0x3FD0];
	_ =	sdelay $0x2  }
0x91: {  	s15 =	simm.s32 $0xA;
	s4 =	simm.s32 $0x10  }
0x92: {  	[smem:s4], [sflag:s15] =	dma.local [hbm:s2], $0x1  }
0x93: {  	_ =	swait.eq [sflag:s15], $0x1  }
0x94: {  	[sflag:s15] =	ssyncset.done $0x0  }
0x95: {  	s16 =	sld [smem:$0x10];
	[sflag:s15] =	ssyncadd.s32 $0xFFFFFFFF  }
0x96: {  	s17 =	sld [smem:$0x11];
	(tm) =	ssettm $0x1  }
0x97: {  	s18 =	sld [smem:$0x3FFB];
	_ =	sdelay $0x3  }
0x98: {  	_ =	strace s18  }
0x99: {  	s4 =	sld [smem:$0x3FFC];
	_ =	sdelay $0x3  }
0x9a: {  	_ =	strace s4  }
0x9b: {  	s4 =	sld [smem:$0x3FFD];
	_ =	sdelay $0x3  }
0x9c: {  	_ =	strace s4  }
0x9d: {  	_ =	strace $0x8FFFFFFF  }
0x9e: {  	s19 =	sld [smem:$0x3FDB];
	_ =	sdelay $0x1  }
0x9f: {  	s5 =	simm.s32 $_scs_section_size  }
0xa0: {  	s6 =	simm.s32 $_size__tile_overlayer_lowered;
	s7 =	simm.s32 $_tile_overlayer_lowered  }
0xa1: {  	s22 =	simm.s32 $0x1BFF;
	s21 =	sshll.u32 s7, $0x1;
	s4 =	sadd.s32 s5, s19  }
0xa2: {  	s8 =	simm.s32 $0x0;
	s20 =	sshll.u32 s6, $0x1;
	s6 =	sadd.s32 s21, s4  }
0xa3: {  	[timem:s8], [sflag:s22] =	dma.local [hbm:s6], s20  }
0xa4: {  	_ =	swait.ge [sflag:s22], s20  }
0xa5: {  	s5 =	ssub.s32 $0x0, s20;
	[sflag:s22] =	ssyncset.done $0x0  }
0xa6: {  	[sflag:s22] =	ssyncadd.s32 s5;
	_ =	sdelay $0x1  }
0xa7: {  	s23 =	simm.s32 $0x1B8B  }
0xa8: {  	_ =	swait.ge [sflag:s23], $0x1  }
0xa9: {  	[sflag:s23] =	ssyncset.done $0x0  }
0xaa: {  	s25 =	simm.s32 $0x1B8E;
	s24 =	sld [smem:$0x3FFE];
	[sflag:s23] =	ssyncadd.s32 $0xFFFFFFFF  }
0xab: {  	s26 =	simm.s32 $execute0_lowered;
	[smem:$0x3FD2] =	sst s25  }
0xac: {  	s6 =	sshll.u32 s26, $0x1;
	_ =	strace $0x80000049;
	[dreg:$0x1] =	wrdreg $0xFFFFFFFF  }
0xad: {  	s28 =	simm.s32 $_size_execute0_lowered;
	s4 =	sadd.s32 s4, s6;
	[dreg:$0x0] =	wrdreg $0x0  }
0xae: {  	s6 =	sshll.u32 s28, $0x1;
	[dreg:$0x2] =	wrdreg s4  }
0xaf: {  	[dreg:$0x3] =	wrdreg s6  }
0xb0: {  	[dreg:$0x4] =	wrdreg $0xC0  }
0xb1: {  	_ =	task [dreg:s8], $0x5FFFF  }
0xb2: {  	[dreg:$0x1] =	wrdreg $0xFFFFFFFF  }
0xb3: {  	[dreg:$0x0] =	wrdreg $0x60  }
0xb4: {  	[dreg:$0x2] =	wrdreg s16  }
0xb5: {  	[dreg:$0x3] =	wrdreg s17  }
0xb6: {  	[dreg:$0x4] =	wrdreg s24  }
0xb7: {  	[dreg:$0x5] =	wrdreg $0x98000  }
0xb8: {  	[dreg:$0x6] =	wrdreg $0x9  }
0xb9: {  	_ =	task.clear_ibuf [dreg:s8], $0x7FFFF;
	_ =	strace $0x90000049  }
0xba: {  	s29 =	simm.s32 $0x9;
	_ =	strace $0x8000004B  }
0xbb: {  	_ =	swait.ge [sflag:s29], $0x1  }
0xbc: {  	[sflag:s29] =	ssyncadd.s32 $0xFFFFFFFF  }
0xbd: {  	_ =	strace $0x9000004B  }
0xbe: {  	_ =	sfence  }
0xbf: {  	s30 =	sld [smem:$0x0];
	_ =	sdelay $0x2  }
0xc0: {  	s31 =	sshll.u32 s1, $0xD;
	s1 =	sshrl.u32 s1, $0x2  }
0xc1: {  	s3 =	sand.u32 $0x4000, s31;
	s1 =	sadd.s32 s1, s30  }
0xc2: {  	s0 =	sor.u32 s3, s0;
	s1 =	sshll.u32 s1, $0x11  }
0xc3: {  	s0 =	sor.u32 s1, s0  }
0xc4: {  	s0 =	sadd.s32 $0x8F2B, s0  }
0xc5: {  	[sflag:s0] =	ssyncadd.remote.s32 $0x1  }
0xc6: {  	_ =	sfence.sel $0xFFFF  }
0xc7: {  	[dreg:$0x0] =	wrdreg $0xFFFFFFFF;
	(pc) =	sbr.abs _section_cstart, $3  }
0xc8: {  	[dreg:$0x1] =	wrdreg $0xFFFFFFFF  }
0xc9: {  	_ =	task.clear_ibuf [dreg:s8], $0x2FFFF;
	_ =	strace $0x9FFFFFFF  }
0xca: {  	(tm) =	ssettm $0x7FFFFFFF  }
0xcb: {  	_ =	shalt  }
tec
execute0_lowered:
.L_overlay_start_1:
0x0: {  	(tag) =	ssettag $0x1  }
0x1: {  	s0 =	rddreg [dreg:$0x0]  }
0x2: {  	s5 =	rddreg [dreg:$0x1]  }
0x3: {  	s1 =	srdreg.scid;
	s7 =	rddreg [dreg:$0x2]  }
0x4: {  	s3 =	rddreg [dreg:$0x3];
	s4 =	simm.s32 $0x0;
	s15 =	simm.s32 $0x5800  }
0x5: {  	s16 =	simm.s32 $0x1;
	s6 =	sand.u32 $0x1, s1;
	s1 =	stileid.u32  }
0x6: {  	s17 =	simm.s32 $0x0;
	[smem:$0x7FF] =	sst s4;
	s9 =	smul.u32 $0x2800, s1  }
0x7: {  	s2 =	sshll.u32 s6, $0x4;
	s10 =	smul.u32 $0x28000, s6;
	s6 =	ssub.s32 $0x2, s6  }
0x8: {  	s12 =	smul.u32 $0x50000, s1;
	s31 =	sshll.u32 s1, $0x6;
	s8 =	sor.u32 s1, s2  }
0x9: {  	s2 =	rddreg [dreg:$0x4];
	_ =	strace $0x8000004A;
	s29 =	sshrl.u32 s6, $0x1  }
0xa: {  	s8 =	smul.u32 $0x580, s8;
	s13 =	sadd.s32 s9, s7;
	s9 =	sadd.s32 s9, s10  }
0xb: {  	s10 =	ssub.s32 s6, s29;
	s30 =	sshrl.u32 s12, $0x2;
	s12 =	sor.u32 $0x1C02, s31  }
0xc: {  	s9 =	sadd.s32 s9, s7;
	s14 =	sadd.s32 s30, s3;
	s11 =	sadd.s32 s8, s7  }
0xd: {  	s5 =	sadd.s32 s5, s8;
	s7 =	sadd.s32 $0x19000, s13;
	s8 =	sadd.s32 $0x41000, s9  }
0xe: {  	s9 =	smax.u32 s10, $0x1;
	s10 =	simm.s32 $0x2;
	s13 =	sshrl.u32 s14, $0x3  }
0xf: {  	s14 =	simm.s32 $0x80;
	s6 =	sadd.s32 $0xE000, s11;
	s11 =	simm.s32 $0x2C00  }
.LBB2_1:
0x10: {  	[tilespmem:s4], [sflag:$0x2] =	stream.linear.gather [hbm4b:s5+s4], $0x2900, $0x38;
	[tilespmem:$0x1D800] =	vst v63  }
0x11: {  	_ =	swait.ge [sflag:s10], $0x2900  }
0x12: {  	[sflag:s10] =	ssyncset.done $0x0  }
0x13: {  	[sflag:s10] =	ssyncadd.s32 $0xFFFFD700  }
0x14: {  	[tilespmem:s11], [sflag:$0x2] =	stream.linear.gather [hbm4b:s6+s4], $0x2900, $0x38;
	[tilespmem:$0x1D800] =	vst v63  }
0x15: {  	_ =	swait.ge [sflag:s10], $0x2900  }
0x16: {  	[sflag:s10] =	ssyncset.done $0x0  }
0x17: {  	[sflag:s10] =	ssyncadd.s32 $0xFFFFD700  }
0x18: {  	[spmem:s13], [sflag:s12] =	dma.local [hbm:s7], $0x2800  }
0x19: {  	_ =	swait.ge [sflag:s10], $0x2800  }
0x1a: {  	[sflag:s10] =	ssyncset.done $0x0  }
0x1b: {  	[sflag:s10] =	ssyncadd.s32 $0xFFFFD800  }
0x1c: {  	s18 =	simm.s32 $0x0;
	[bflag:$0x0] =	sbarrier.arrive $0xFFFF  }
0x1d: {  	[tilespmem:s15], [sflag:$0x1] =	stream.indirect.gather [hbm4b:s0+s14], $0x80, s18, s14, $0xb8;
	[tilespmem:$0x1D800] =	vst v63  }
0x1e: {  	_ =	swait.ge [sflag:s16], $0x4000  }
0x1f: {  	[sflag:s16] =	ssyncset.done $0x0  }
0x20: {  	s31 =	simm.s32 $0x2C00;
	[sflag:s16] =	ssyncadd.s32 $0xFFFFC000  }
0x21: {  	[spmem:s3] =	stream.indirect.scatter.add.f32 [tilespmem:s15], [sflag:$0x2], $0x80, s31, s14, $0xb8;
	[tilespmem:$0x1D800] =	vst v63  }
0x22: {  	_ =	swait.ge [sflag:s10], $0x4000  }
0x23: {  	s19 =	simm.s32 $0x400;
	s18 =	simm.s32 $0x200;
	[sflag:s10] =	ssyncset.done $0x0  }
.LBB2_2:
0x24: {  	s20 =	sshra.s32 s18, $0x2  }
0x25: {  	[sflag:s10] =	ssyncadd.s32 $0xFFFFC000;
	s18 =	smov.u32 s19;
	s21 =	sadd.s32 $0x200, s19  }
0x26: {  	[tilespmem:s15], [sflag:$0x1] =	stream.indirect.gather [hbm4b:s0+s14], $0x80, s20, s14, $0xb8;
	[tilespmem:$0x1D800] =	vst v63  }
0x27: {  	p0 =	sne.s32 s19, $0xA200;
	_ =	swait.ge [sflag:s16], $0x4000  }
.Ltmp0:
0x28: {  	[sflag:s16] =	ssyncset.done $0x0;
	(pc) =	sbr.rel @p0 .LBB2_2-.Ltmp0, $4  }
0x29: {  	s19 =	sadd.s32 $0x2C00, s20;
	[sflag:s16] =	ssyncadd.s32 $0xFFFFC000  }
0x2a: {  	[spmem:s3] =	stream.indirect.scatter.add.f32 [tilespmem:s15], [sflag:$0x2], $0x80, s19, s14, $0xb8;
	[tilespmem:$0x1D800] =	vst v63  }
0x2b: {  	_ =	swait.ge [sflag:s10], $0x4000  }
0x2c: {  	s19 =	smov.u32 s21;
	[sflag:s10] =	ssyncset.done $0x0  }
0x2d: {  	s18 =	sshra.s32 s18, $0x2;
	[sflag:s10] =	ssyncadd.s32 $0xFFFFC000  }
0x2e: {  	[tilespmem:s15], [sflag:$0x1] =	stream.indirect.gather [hbm4b:s0+s14], $0x80, s18, s14, $0xb8;
	[tilespmem:$0x1D800] =	vst v63  }
0x2f: {  	_ =	swait.ge [sflag:s16], $0x4000  }
0x30: {  	[sflag:s16] =	ssyncset.done $0x0  }
0x31: {  	s18 =	sadd.s32 $0x2C00, s18;
	[sflag:s16] =	ssyncadd.s32 $0xFFFFC000  }
0x32: {  	[spmem:s3] =	stream.indirect.scatter.add.f32 [tilespmem:s15], [sflag:$0x2], $0x80, s18, s14, $0xb8;
	[tilespmem:$0x1D800] =	vst v63  }
0x33: {  	_ =	swait.ge [sflag:s10], $0x4000  }
0x34: {  	s17 =	sadd.s32 $0x1, s17;
	[sflag:s10] =	ssyncset.done $0x0  }
0x35: {  	p0 =	sne.s32 s17, s9;
	[sflag:s10] =	ssyncadd.s32 $0xFFFFC000  }
.Ltmp1:
0x36: {  	[bflag:$0x0] =	sbarrier.arrive $0xFFFF;
	(pc) =	sbr.rel @p0 .LBB2_1-.Ltmp1, $4  }
0x37: {  	[hbm:s8], [sflag:s12] =	dma.local [spmem:s13], $0x2800  }
0x38: {  	_ =	swait.ge [sflag:s10], $0x2800  }
0x39: {  	[sflag:s10] =	ssyncset.done $0x0  }
0x3a: {  	[sflag:s10] =	ssyncadd.s32 $0xFFFFD800  }
0x3b: {  	_ =	sfence.sel $0x180000  }
0x3c: {  	[bflag:$0x0] =	sbarrier.arrive $0xFFFF  }
0x3d: {  	p0 =	sne.s32 s1, $0x0;
	_ =	strace $0x9000004A  }
0x3e: {  	s0 =	sadd.s32 @!p0 $0x100000, s2;
	[bflag:$0x2] =	sbarrier.arrive $0xFFFF  }
0x3f: {  	[sflag:s0] =	ssyncadd.tile.s32 @!p0 $0x1;
	_ =	shalt  }
.Lfunc_end2:
_tile_overlayer_lowered:
.L_overlay_start_2:
0x40: {  	(tag) =	ssettag $0x2  }
0x41: {  	s0 =	rddreg [dreg:$0x0];
	s2 =	stileid.u32  }
0x42: {  	s1 =	rddreg [dreg:$0x1];
	p0 =	sne.s32 s2, $0x0  }
0x43: {  	s3 =	rddreg [dreg:$0x2];
	[bflag:$0x3] =	sbarrier.arrive $0xFFFF;
	s2 =	simm.s32 @!p0 $0x1C02  }
0x44: {  	[timem:s3], [sflag:s2] =	dma.local @!p0 [hbm:s0], s1  }
0x45: {  	s0 =	simm.s32 @!p0 $0x2  }
0x46: {  	_ =	swait.ge @!p0 [sflag:s0], s1  }
0x47: {  	s1 =	ssub.s32 @!p0 $0x0, s1;
	[sflag:s0] =	ssyncset.done @!p0 $0x0  }
0x48: {  	[sflag:s0] =	ssyncadd.s32 @!p0 s1  }
0x49: {  	[bflag:$0x3] =	sbarrier.arrive $0xFFFF  }
0x4a: {  	_ =	shalt  }

// kernel: kernel.17.cloned.1.call-start
scs
__scs_entry_jumppad:
0x0: {  	(pc) =	sbr.rel $0x88, $3  }
0x1: {  	(tag) =	ssettag $0x0;
	lr =	simm.s32 $0x1  }
0x2: {  	[smem:$0x3F91] =	sst lr;
	_ =	strace $0xD0000000  }
0x3: {  	_ = 	snop  }
0x4: {  	_ = 	snop  }
0x5: {  	_ = 	snop  }
0x6: {  	_ = 	snop  }
0x7: {  	_ = 	snop  }
__scs_overlays_trampoline_lowered:
0x8: {  	[smem:$0x3FA0] =	sst s0  }
0x9: {  	[smem:$0x3FA1] =	sst s1  }
0xa: {  	[smem:$0x3FA2] =	sst s2  }
0xb: {  	[smem:$0x3FA3] =	sst s3  }
0xc: {  	[smem:$0x3FA4] =	sst s4  }
0xd: {  	[smem:$0x3FA5] =	sst s5  }
0xe: {  	[smem:$0x3FA6] =	sst s6  }
0xf: {  	[smem:$0x3FA7] =	sst s7  }
0x10: {  	[smem:$0x3FA8] =	sst s8  }
0x11: {  	[smem:$0x3FA9] =	sst s9;
	s0 =	simm.s32 @!p0 $0x0  }
0x12: {  	s1 =	sld [smem:$0x3F8F];
	s0 =	simm.s32 @p0 $0x1  }
0x13: {  	[smem:$0x3FAA] =	sst s0;
	s0 =	simm.s32 @!p1 $0x0  }
0x14: {  	s2 =	sld [smem:$0x3F8E];
	s0 =	simm.s32 @p1 $0x1  }
0x15: {  	[smem:$0x3FAB] =	sst s0;
	s0 =	simm.s32 @!p2 $0x0  }
0x16: {  	s3 =	sld [smem:$0x3FDB];
	s0 =	simm.s32 @p2 $0x1  }
0x17: {  	s4 =	simm.s32 $0x1BF5;
	[smem:$0x3FAD] =	sst s0  }
0x18: {  	s0 =	sld [smem:$0x3F90];
	_ =	swait.ge [sflag:s4], $0x0  }
0x19: {  	s7 =	sld [smem:$0x3F91]  }
0x1a: {  	s8 =	sadd.s32 $0xFFFFE003, lr  }
0x1b: {  	s9 =	sadd.s32 $0xFFFFFEF7, lr;
	s5 =	simm.s32 $0xFFFFFFFF;
	p2 =	slt.u32 s8, $0xFFFFF086  }
0x1c: {  	p1 =	slt.u32 s9, $0xF7A;
	s5 =	simm.s32 @!p2 $0x0  }
0x1d: {  	s5 =	simm.s32 @p1 $0x1;
	p0 =	seq.s32 s7, s2  }
0x1e: {  	s7 =	smul.u32 @!p0 $0xF7A, s2;
	p2 =	seq.s32 @!p0 s5, $0x0  }
0x1f: {  	s9 =	smul.u32 $0xF7A, s1;
	s8 =	simm.s32 @!p0 $0x1BF5;
	p2 =	por !p2, p0  }
0x20: {  	[sflag:s8] =	ssyncset.s32 @!p0 $0xFFFFF086;
	s6 =	sadd.s32 @!p0 s3, s7;
	s7 =	simm.s32 @!p0 $0x108  }
0x21: {  	s3 =	sadd.s32 s3, s9;
	s6 =	sadd.s32 @!p0 $0x88, s6;
	s7 =	simm.s32 @p2 $0x1082  }
0x22: {  	[simem:s7], [sflag:s8] =	dma.local @!p0 [hbm:s6], $0xF7A  }
0x23: {  	s9 =	sor.u32 $0xD0000000, s2;
	s6 =	simm.s32 $0x108;
	_ =	swait.ge @!p0 [sflag:s8], $0x0  }
0x24: {  	s3 =	sadd.s32 $0x88, s3;
	s6 =	simm.s32 @!p1 $0x1082;
	[sflag:s4] =	ssyncset.s32 $0xFFFFF086  }
0x25: {  	[simem:s6], [sflag:s4] =	dma.local [hbm:s3], $0xF7A  }
0x26: {  	[smem:$0x3F91] =	sst s1;
	(tag) =	ssettag s2;
	_ =	strace s9  }
0x27: {  	s1 =	sld [smem:$0x3FA1]  }
0x28: {  	s2 =	sld [smem:$0x3FA2]  }
0x29: {  	s4 =	sld [smem:$0x3FA4]  }
0x2a: {  	p0 =	seq.s32 s5, $0x0;
	s5 =	sld [smem:$0x3FA5]  }
0x2b: {  	s6 =	sld [smem:$0x3FA6]  }
0x2c: {  	s7 =	sld [smem:$0x3FA7]  }
0x2d: {  	s3 =	simm.s32 $0x108;
	s8 =	sld [smem:$0x3FA8]  }
0x2e: {  	s3 =	simm.s32 @!p0 $0x1082;
	s9 =	sld [smem:$0x3FA9]  }
0x2f: {  	lr =	sadd.s32 s0, s3;
	s0 =	sld [smem:$0x3FA0]  }
0x30: {  	s3 =	sld [smem:$0x3FA3]  }
0x31: {  	[smem:$0x3FAC] =	sst s10  }
0x32: {  	s10 =	sld [smem:$0x3FAA];
	_ =	sdelay $0x3  }
0x33: {  	p0 =	seq.s32 s10, $0x1;
	s10 =	sld [smem:$0x3FAC];
	_ =	sdelay $0x3  }
0x34: {  	[smem:$0x3FAC] =	sst s10  }
0x35: {  	s10 =	sld [smem:$0x3FAB];
	_ =	sdelay $0x3  }
0x36: {  	p1 =	seq.s32 s10, $0x1;
	s10 =	sld [smem:$0x3FAC];
	_ =	sdelay $0x3  }
0x37: {  	[smem:$0x3FAC] =	sst s10  }
0x38: {  	s10 =	sld [smem:$0x3FAD]  }
0x39: {  	_ = 	snop;
	(pc) =	sbr.ind lr, $3  }
0x3a: {  	_ = 	snop  }
0x3b: {  	_ = 	snop  }
0x3c: {  	p2 =	seq.s32 s10, $0x1;
	s10 =	sld [smem:$0x3FAC]  }
0x3d: {  	_ =	shalt  }
0x3e: {  	_ =	shalt  }
0x3f: {  	_ =	shalt  }
0x40: {  	_ =	shalt  }
0x41: {  	_ =	shalt  }
0x42: {  	_ =	shalt  }
0x43: {  	_ =	shalt  }
0x44: {  	_ =	shalt  }
0x45: {  	_ =	shalt  }
0x46: {  	_ =	shalt  }
0x47: {  	_ =	shalt  }
0x48: {  	_ =	shalt  }
0x49: {  	_ =	shalt  }
0x4a: {  	_ =	shalt  }
0x4b: {  	_ =	shalt  }
0x4c: {  	_ =	shalt  }
0x4d: {  	_ =	shalt  }
0x4e: {  	_ =	shalt  }
0x4f: {  	_ =	shalt  }
0x50: {  	_ =	shalt  }
0x51: {  	_ =	shalt  }
0x52: {  	_ =	shalt  }
0x53: {  	_ =	shalt  }
0x54: {  	_ =	shalt  }
0x55: {  	_ =	shalt  }
0x56: {  	_ =	shalt  }
0x57: {  	_ =	shalt  }
0x58: {  	_ =	shalt  }
0x59: {  	_ =	shalt  }
0x5a: {  	_ =	shalt  }
0x5b: {  	_ =	shalt  }
0x5c: {  	_ =	shalt  }
0x5d: {  	_ =	shalt  }
0x5e: {  	_ =	shalt  }
0x5f: {  	_ =	shalt  }
0x60: {  	_ =	shalt  }
0x61: {  	_ =	shalt  }
0x62: {  	_ =	shalt  }
0x63: {  	_ =	shalt  }
0x64: {  	_ =	shalt  }
0x65: {  	_ =	shalt  }
0x66: {  	_ =	shalt  }
0x67: {  	_ =	shalt  }
0x68: {  	_ =	shalt  }
0x69: {  	_ =	shalt  }
0x6a: {  	_ =	shalt  }
0x6b: {  	_ =	shalt  }
0x6c: {  	_ =	shalt  }
0x6d: {  	_ =	shalt  }
0x6e: {  	_ =	shalt  }
0x6f: {  	_ =	shalt  }
0x70: {  	_ =	shalt  }
0x71: {  	_ =	shalt  }
0x72: {  	_ =	shalt  }
0x73: {  	_ =	shalt  }
0x74: {  	_ =	shalt  }
0x75: {  	_ =	shalt  }
0x76: {  	_ =	shalt  }
0x77: {  	_ =	shalt  }
0x78: {  	_ =	shalt  }
0x79: {  	_ =	shalt  }
0x7a: {  	_ =	shalt  }
0x7b: {  	_ =	shalt  }
0x7c: {  	_ =	shalt  }
0x7d: {  	_ =	shalt  }
0x7e: {  	_ =	shalt  }
0x7f: {  	_ =	shalt  }
0x80: {  	_ =	shalt  }
0x81: {  	_ =	shalt  }
0x82: {  	_ =	shalt  }
0x83: {  	_ =	shalt  }
0x84: {  	_ =	shalt  }
0x85: {  	_ =	shalt  }
0x86: {  	_ =	shalt  }
0x87: {  	_ =	shalt  }
.Lfunc_end0:
.L_simem_size_0:
called_computation.2_lowered:
.L_overlay_start_0:
0x88: {  	s2 =	sld [smem:$0x3FD9]  }
0x89: {  	s3 =	sld [smem:$0x3FFE];
	_ =	sdelay $0x1  }
0x8a: {  	s1 =	srdreg.scid  }
0x8b: {  	s0 =	sand.u32 $0x1, s1  }
0x8c: {  	s14 =	sshll.u32 s0, $0xA;
	s2 =	sadd.s32 s3, s2  }
0x8d: {  	s2 =	sadd.s32 s2, s14  }
0x8e: {  	[smem:$0x3FB8] =	sst s2  }
0x8f: {  	_ = 	snop  }
0x90: {  	s2 =	sld [smem:$0x3FD0];
	_ =	sdelay $0x2  }
0x91: {  	s15 =	simm.s32 $0xA;
	s4 =	simm.s32 $0x10  }
0x92: {  	[smem:s4], [sflag:s15] =	dma.local [hbm:s2], $0x1  }
0x93: {  	_ =	swait.eq [sflag:s15], $0x1  }
0x94: {  	[sflag:s15] =	ssyncset.done $0x0  }
0x95: {  	s16 =	sld [smem:$0x10];
	[sflag:s15] =	ssyncadd.s32 $0xFFFFFFFF  }
0x96: {  	s17 =	sld [smem:$0x11];
	(tm) =	ssettm $0x1  }
0x97: {  	s18 =	sld [smem:$0x3FFB];
	_ =	sdelay $0x3  }
0x98: {  	_ =	strace s18  }
0x99: {  	s4 =	sld [smem:$0x3FFC];
	_ =	sdelay $0x3  }
0x9a: {  	_ =	strace s4  }
0x9b: {  	s4 =	sld [smem:$0x3FFD];
	_ =	sdelay $0x3  }
0x9c: {  	_ =	strace s4  }
0x9d: {  	_ =	strace $0x8FFFFFFF  }
0x9e: {  	s19 =	sld [smem:$0x3FDB];
	_ =	sdelay $0x1  }
0x9f: {  	s5 =	simm.s32 $_scs_section_size  }
0xa0: {  	s6 =	simm.s32 $_size__tile_overlayer_lowered;
	s7 =	simm.s32 $_tile_overlayer_lowered  }
0xa1: {  	s22 =	simm.s32 $0x1BFF;
	s21 =	sshll.u32 s7, $0x1;
	s4 =	sadd.s32 s5, s19  }
0xa2: {  	s8 =	simm.s32 $0x0;
	s20 =	sshll.u32 s6, $0x1;
	s6 =	sadd.s32 s21, s4  }
0xa3: {  	[timem:s8], [sflag:s22] =	dma.local [hbm:s6], s20  }
0xa4: {  	_ =	swait.ge [sflag:s22], s20  }
0xa5: {  	s5 =	ssub.s32 $0x0, s20;
	[sflag:s22] =	ssyncset.done $0x0  }
0xa6: {  	[sflag:s22] =	ssyncadd.s32 s5;
	_ =	sdelay $0x1  }
0xa7: {  	s23 =	simm.s32 $0x1B8B  }
0xa8: {  	_ =	swait.ge [sflag:s23], $0x1  }
0xa9: {  	[sflag:s23] =	ssyncset.done $0x0  }
0xaa: {  	s25 =	simm.s32 $0x1B8E;
	s24 =	sld [smem:$0x3FFE];
	[sflag:s23] =	ssyncadd.s32 $0xFFFFFFFF  }
0xab: {  	s26 =	simm.s32 $execute0_lowered;
	[smem:$0x3FD2] =	sst s25  }
0xac: {  	s6 =	sshll.u32 s26, $0x1;
	_ =	strace $0x8000004C;
	[dreg:$0x1] =	wrdreg $0xFFFFFFFF  }
0xad: {  	s28 =	simm.s32 $_size_execute0_lowered;
	s4 =	sadd.s32 s4, s6;
	[dreg:$0x0] =	wrdreg $0x0  }
0xae: {  	s6 =	sshll.u32 s28, $0x1;
	[dreg:$0x2] =	wrdreg s4  }
0xaf: {  	[dreg:$0x3] =	wrdreg s6  }
0xb0: {  	[dreg:$0x4] =	wrdreg $0xC0  }
0xb1: {  	_ =	task [dreg:s8], $0x5FFFF  }
0xb2: {  	[dreg:$0x1] =	wrdreg $0xFFFFFFFF  }
0xb3: {  	[dreg:$0x0] =	wrdreg $0x60  }
0xb4: {  	[dreg:$0x2] =	wrdreg s16  }
0xb5: {  	[dreg:$0x3] =	wrdreg s17  }
0xb6: {  	[dreg:$0x4] =	wrdreg s24  }
0xb7: {  	[dreg:$0x5] =	wrdreg $0x98000  }
0xb8: {  	[dreg:$0x6] =	wrdreg $0x9  }
0xb9: {  	_ =	task.clear_ibuf [dreg:s8], $0x7FFFF;
	_ =	strace $0x9000004C  }
0xba: {  	s29 =	simm.s32 $0x9;
	_ =	strace $0x8000004E  }
0xbb: {  	_ =	swait.ge [sflag:s29], $0x1  }
0xbc: {  	[sflag:s29] =	ssyncadd.s32 $0xFFFFFFFF  }
0xbd: {  	_ =	strace $0x9000004E  }
0xbe: {  	_ =	sfence  }
0xbf: {  	s30 =	sld [smem:$0x0];
	_ =	sdelay $0x2  }
0xc0: {  	s31 =	sshll.u32 s1, $0xD;
	s1 =	sshrl.u32 s1, $0x2  }
0xc1: {  	s3 =	sand.u32 $0x4000, s31;
	s1 =	sadd.s32 s1, s30  }
0xc2: {  	s0 =	sor.u32 s3, s0;
	s1 =	sshll.u32 s1, $0x11  }
0xc3: {  	s0 =	sor.u32 s1, s0  }
0xc4: {  	s0 =	sadd.s32 $0x8F2B, s0  }
0xc5: {  	[sflag:s0] =	ssyncadd.remote.s32 $0x1  }
0xc6: {  	_ =	sfence.sel $0xFFFF  }
0xc7: {  	[dreg:$0x0] =	wrdreg $0xFFFFFFFF;
	(pc) =	sbr.abs _section_cstart, $3  }
0xc8: {  	[dreg:$0x1] =	wrdreg $0xFFFFFFFF  }
0xc9: {  	_ =	task.clear_ibuf [dreg:s8], $0x2FFFF;
	_ =	strace $0x9FFFFFFF  }
0xca: {  	(tm) =	ssettm $0x7FFFFFFF  }
0xcb: {  	_ =	shalt  }
tec
execute0_lowered:
.L_overlay_start_1:
0x0: {  	(tag) =	ssettag $0x1  }
0x1: {  	s0 =	rddreg [dreg:$0x0]  }
0x2: {  	s5 =	rddreg [dreg:$0x1]  }
0x3: {  	s1 =	srdreg.scid;
	s7 =	rddreg [dreg:$0x2]  }
0x4: {  	s3 =	rddreg [dreg:$0x3];
	s4 =	simm.s32 $0x0;
	s15 =	simm.s32 $0x5800  }
0x5: {  	s16 =	simm.s32 $0x1;
	s6 =	sand.u32 $0x1, s1;
	s1 =	stileid.u32  }
0x6: {  	s17 =	simm.s32 $0x0;
	[smem:$0x7FF] =	sst s4;
	s9 =	smul.u32 $0x2800, s1  }
0x7: {  	s2 =	sshll.u32 s6, $0x4;
	s10 =	smul.u32 $0x28000, s6;
	s6 =	ssub.s32 $0x2, s6  }
0x8: {  	s12 =	smul.u32 $0x50000, s1;
	s31 =	sshll.u32 s1, $0x6;
	s8 =	sor.u32 s1, s2  }
0x9: {  	s2 =	rddreg [dreg:$0x4];
	_ =	strace $0x8000004D;
	s29 =	sshrl.u32 s6, $0x1  }
0xa: {  	s8 =	smul.u32 $0x580, s8;
	s13 =	sadd.s32 s9, s7;
	s9 =	sadd.s32 s9, s10  }
0xb: {  	s10 =	ssub.s32 s6, s29;
	s30 =	sshrl.u32 s12, $0x2;
	s12 =	sor.u32 $0x1C02, s31  }
0xc: {  	s9 =	sadd.s32 s9, s7;
	s14 =	sadd.s32 s30, s3;
	s11 =	sadd.s32 s8, s7  }
0xd: {  	s5 =	sadd.s32 s5, s8;
	s7 =	sadd.s32 $0x19000, s13;
	s8 =	sadd.s32 $0x41000, s9  }
0xe: {  	s9 =	smax.u32 s10, $0x1;
	s10 =	simm.s32 $0x2;
	s13 =	sshrl.u32 s14, $0x3  }
0xf: {  	s14 =	simm.s32 $0x80;
	s6 =	sadd.s32 $0xE000, s11;
	s11 =	simm.s32 $0x2C00  }
.LBB2_1:
0x10: {  	[tilespmem:s4], [sflag:$0x2] =	stream.linear.gather [hbm4b:s5+s4], $0x2900, $0x38;
	[tilespmem:$0x1D800] =	vst v63  }
0x11: {  	_ =	swait.ge [sflag:s10], $0x2900  }
0x12: {  	[sflag:s10] =	ssyncset.done $0x0  }
0x13: {  	[sflag:s10] =	ssyncadd.s32 $0xFFFFD700  }
0x14: {  	[tilespmem:s11], [sflag:$0x2] =	stream.linear.gather [hbm4b:s6+s4], $0x2900, $0x38;
	[tilespmem:$0x1D800] =	vst v63  }
0x15: {  	_ =	swait.ge [sflag:s10], $0x2900  }
0x16: {  	[sflag:s10] =	ssyncset.done $0x0  }
0x17: {  	[sflag:s10] =	ssyncadd.s32 $0xFFFFD700  }
0x18: {  	[spmem:s13], [sflag:s12] =	dma.local [hbm:s7], $0x2800  }
0x19: {  	_ =	swait.ge [sflag:s10], $0x2800  }
0x1a: {  	[sflag:s10] =	ssyncset.done $0x0  }
0x1b: {  	[sflag:s10] =	ssyncadd.s32 $0xFFFFD800  }
0x1c: {  	s18 =	simm.s32 $0x0;
	[bflag:$0x0] =	sbarrier.arrive $0xFFFF  }
0x1d: {  	[tilespmem:s15], [sflag:$0x1] =	stream.indirect.gather [hbm4b:s0+s14], $0x80, s18, s14, $0xb8;
	[tilespmem:$0x1D800] =	vst v63  }
0x1e: {  	_ =	swait.ge [sflag:s16], $0x4000  }
0x1f: {  	[sflag:s16] =	ssyncset.done $0x0  }
0x20: {  	s31 =	simm.s32 $0x2C00;
	[sflag:s16] =	ssyncadd.s32 $0xFFFFC000  }
0x21: {  	[spmem:s3] =	stream.indirect.scatter.add.f32 [tilespmem:s15], [sflag:$0x2], $0x80, s31, s14, $0xb8;
	[tilespmem:$0x1D800] =	vst v63  }
0x22: {  	_ =	swait.ge [sflag:s10], $0x4000  }
0x23: {  	s19 =	simm.s32 $0x400;
	s18 =	simm.s32 $0x200;
	[sflag:s10] =	ssyncset.done $0x0  }
.LBB2_2:
0x24: {  	s20 =	sshra.s32 s18, $0x2  }
0x25: {  	[sflag:s10] =	ssyncadd.s32 $0xFFFFC000;
	s18 =	smov.u32 s19;
	s21 =	sadd.s32 $0x200, s19  }
0x26: {  	[tilespmem:s15], [sflag:$0x1] =	stream.indirect.gather [hbm4b:s0+s14], $0x80, s20, s14, $0xb8;
	[tilespmem:$0x1D800] =	vst v63  }
0x27: {  	p0 =	sne.s32 s19, $0xA200;
	_ =	swait.ge [sflag:s16], $0x4000  }
.Ltmp0:
0x28: {  	[sflag:s16] =	ssyncset.done $0x0;
	(pc) =	sbr.rel @p0 .LBB2_2-.Ltmp0, $4  }
0x29: {  	s19 =	sadd.s32 $0x2C00, s20;
	[sflag:s16] =	ssyncadd.s32 $0xFFFFC000  }
0x2a: {  	[spmem:s3] =	stream.indirect.scatter.add.f32 [tilespmem:s15], [sflag:$0x2], $0x80, s19, s14, $0xb8;
	[tilespmem:$0x1D800] =	vst v63  }
0x2b: {  	_ =	swait.ge [sflag:s10], $0x4000  }
0x2c: {  	s19 =	smov.u32 s21;
	[sflag:s10] =	ssyncset.done $0x0  }
0x2d: {  	s18 =	sshra.s32 s18, $0x2;
	[sflag:s10] =	ssyncadd.s32 $0xFFFFC000  }
0x2e: {  	[tilespmem:s15], [sflag:$0x1] =	stream.indirect.gather [hbm4b:s0+s14], $0x80, s18, s14, $0xb8;
	[tilespmem:$0x1D800] =	vst v63  }
0x2f: {  	_ =	swait.ge [sflag:s16], $0x4000  }
0x30: {  	[sflag:s16] =	ssyncset.done $0x0  }
0x31: {  	s18 =	sadd.s32 $0x2C00, s18;
	[sflag:s16] =	ssyncadd.s32 $0xFFFFC000  }
0x32: {  	[spmem:s3] =	stream.indirect.scatter.add.f32 [tilespmem:s15], [sflag:$0x2], $0x80, s18, s14, $0xb8;
	[tilespmem:$0x1D800] =	vst v63  }
0x33: {  	_ =	swait.ge [sflag:s10], $0x4000  }
0x34: {  	s17 =	sadd.s32 $0x1, s17;
	[sflag:s10] =	ssyncset.done $0x0  }
0x35: {  	p0 =	sne.s32 s17, s9;
	[sflag:s10] =	ssyncadd.s32 $0xFFFFC000  }
.Ltmp1:
0x36: {  	[bflag:$0x0] =	sbarrier.arrive $0xFFFF;
	(pc) =	sbr.rel @p0 .LBB2_1-.Ltmp1, $4  }
0x37: {  	[hbm:s8], [sflag:s12] =	dma.local [spmem:s13], $0x2800  }
0x38: {  	_ =	swait.ge [sflag:s10], $0x2800  }
0x39: {  	[sflag:s10] =	ssyncset.done $0x0  }
0x3a: {  	[sflag:s10] =	ssyncadd.s32 $0xFFFFD800  }
0x3b: {  	_ =	sfence.sel $0x180000  }
0x3c: {  	[bflag:$0x0] =	sbarrier.arrive $0xFFFF  }
0x3d: {  	p0 =	sne.s32 s1, $0x0;
	_ =	strace $0x9000004D  }
0x3e: {  	s0 =	sadd.s32 @!p0 $0x100000, s2;
	[bflag:$0x2] =	sbarrier.arrive $0xFFFF  }
0x3f: {  	[sflag:s0] =	ssyncadd.tile.s32 @!p0 $0x1;
	_ =	shalt  }
.Lfunc_end2:
_tile_overlayer_lowered:
.L_overlay_start_2:
0x40: {  	(tag) =	ssettag $0x2  }
0x41: {  	s0 =	rddreg [dreg:$0x0];
	s2 =	stileid.u32  }
0x42: {  	s1 =	rddreg [dreg:$0x1];
	p0 =	sne.s32 s2, $0x0  }
0x43: {  	s3 =	rddreg [dreg:$0x2];
	[bflag:$0x3] =	sbarrier.arrive $0xFFFF;
	s2 =	simm.s32 @!p0 $0x1C02  }
0x44: {  	[timem:s3], [sflag:s2] =	dma.local @!p0 [hbm:s0], s1  }
0x45: {  	s0 =	simm.s32 @!p0 $0x2  }
0x46: {  	_ =	swait.ge @!p0 [sflag:s0], s1  }
0x47: {  	s1 =	ssub.s32 @!p0 $0x0, s1;
	[sflag:s0] =	ssyncset.done @!p0 $0x0  }
0x48: {  	[sflag:s0] =	ssyncadd.s32 @!p0 s1  }
0x49: {  	[bflag:$0x3] =	sbarrier.arrive $0xFFFF  }
0x4a: {  	_ =	shalt  }

// kernel: kernel.20.cloned.1.call-start
scs
__scs_entry_jumppad:
0x0: {  	(pc) =	sbr.rel $0x88, $3  }
0x1: {  	(tag) =	ssettag $0x0;
	lr =	simm.s32 $0x1  }
0x2: {  	[smem:$0x3F91] =	sst lr;
	_ =	strace $0xD0000000  }
0x3: {  	_ = 	snop  }
0x4: {  	_ = 	snop  }
0x5: {  	_ = 	snop  }
0x6: {  	_ = 	snop  }
0x7: {  	_ = 	snop  }
__scs_overlays_trampoline_lowered:
0x8: {  	[smem:$0x3FA0] =	sst s0  }
0x9: {  	[smem:$0x3FA1] =	sst s1  }
0xa: {  	[smem:$0x3FA2] =	sst s2  }
0xb: {  	[smem:$0x3FA3] =	sst s3  }
0xc: {  	[smem:$0x3FA4] =	sst s4  }
0xd: {  	[smem:$0x3FA5] =	sst s5  }
0xe: {  	[smem:$0x3FA6] =	sst s6  }
0xf: {  	[smem:$0x3FA7] =	sst s7  }
0x10: {  	[smem:$0x3FA8] =	sst s8  }
0x11: {  	[smem:$0x3FA9] =	sst s9;
	s0 =	simm.s32 @!p0 $0x0  }
0x12: {  	s1 =	sld [smem:$0x3F8F];
	s0 =	simm.s32 @p0 $0x1  }
0x13: {  	[smem:$0x3FAA] =	sst s0;
	s0 =	simm.s32 @!p1 $0x0  }
0x14: {  	s2 =	sld [smem:$0x3F8E];
	s0 =	simm.s32 @p1 $0x1  }
0x15: {  	[smem:$0x3FAB] =	sst s0;
	s0 =	simm.s32 @!p2 $0x0  }
0x16: {  	s3 =	sld [smem:$0x3FDB];
	s0 =	simm.s32 @p2 $0x1  }
0x17: {  	s4 =	simm.s32 $0x1BF5;
	[smem:$0x3FAD] =	sst s0  }
0x18: {  	s0 =	sld [smem:$0x3F90];
	_ =	swait.ge [sflag:s4], $0x0  }
0x19: {  	s7 =	sld [smem:$0x3F91]  }
0x1a: {  	s8 =	sadd.s32 $0xFFFFE003, lr  }
0x1b: {  	s9 =	sadd.s32 $0xFFFFFEF7, lr;
	s5 =	simm.s32 $0xFFFFFFFF;
	p2 =	slt.u32 s8, $0xFFFFF086  }
0x1c: {  	p1 =	slt.u32 s9, $0xF7A;
	s5 =	simm.s32 @!p2 $0x0  }
0x1d: {  	s5 =	simm.s32 @p1 $0x1;
	p0 =	seq.s32 s7, s2  }
0x1e: {  	s7 =	smul.u32 @!p0 $0xF7A, s2;
	p2 =	seq.s32 @!p0 s5, $0x0  }
0x1f: {  	s9 =	smul.u32 $0xF7A, s1;
	s8 =	simm.s32 @!p0 $0x1BF5;
	p2 =	por !p2, p0  }
0x20: {  	[sflag:s8] =	ssyncset.s32 @!p0 $0xFFFFF086;
	s6 =	sadd.s32 @!p0 s3, s7;
	s7 =	simm.s32 @!p0 $0x108  }
0x21: {  	s3 =	sadd.s32 s3, s9;
	s6 =	sadd.s32 @!p0 $0x88, s6;
	s7 =	simm.s32 @p2 $0x1082  }
0x22: {  	[simem:s7], [sflag:s8] =	dma.local @!p0 [hbm:s6], $0xF7A  }
0x23: {  	s9 =	sor.u32 $0xD0000000, s2;
	s6 =	simm.s32 $0x108;
	_ =	swait.ge @!p0 [sflag:s8], $0x0  }
0x24: {  	s3 =	sadd.s32 $0x88, s3;
	s6 =	simm.s32 @!p1 $0x1082;
	[sflag:s4] =	ssyncset.s32 $0xFFFFF086  }
0x25: {  	[simem:s6], [sflag:s4] =	dma.local [hbm:s3], $0xF7A  }
0x26: {  	[smem:$0x3F91] =	sst s1;
	(tag) =	ssettag s2;
	_ =	strace s9  }
0x27: {  	s1 =	sld [smem:$0x3FA1]  }
0x28: {  	s2 =	sld [smem:$0x3FA2]  }
0x29: {  	s4 =	sld [smem:$0x3FA4]  }
0x2a: {  	p0 =	seq.s32 s5, $0x0;
	s5 =	sld [smem:$0x3FA5]  }
0x2b: {  	s6 =	sld [smem:$0x3FA6]  }
0x2c: {  	s7 =	sld [smem:$0x3FA7]  }
0x2d: {  	s3 =	simm.s32 $0x108;
	s8 =	sld [smem:$0x3FA8]  }
0x2e: {  	s3 =	simm.s32 @!p0 $0x1082;
	s9 =	sld [smem:$0x3FA9]  }
0x2f: {  	lr =	sadd.s32 s0, s3;
	s0 =	sld [smem:$0x3FA0]  }
0x30: {  	s3 =	sld [smem:$0x3FA3]  }
0x31: {  	[smem:$0x3FAC] =	sst s10  }
0x32: {  	s10 =	sld [smem:$0x3FAA];
	_ =	sdelay $0x3  }
0x33: {  	p0 =	seq.s32 s10, $0x1;
	s10 =	sld [smem:$0x3FAC];
	_ =	sdelay $0x3  }
0x34: {  	[smem:$0x3FAC] =	sst s10  }
0x35: {  	s10 =	sld [smem:$0x3FAB];
	_ =	sdelay $0x3  }
0x36: {  	p1 =	seq.s32 s10, $0x1;
	s10 =	sld [smem:$0x3FAC];
	_ =	sdelay $0x3  }
0x37: {  	[smem:$0x3FAC] =	sst s10  }
0x38: {  	s10 =	sld [smem:$0x3FAD]  }
0x39: {  	_ = 	snop;
	(pc) =	sbr.ind lr, $3  }
0x3a: {  	_ = 	snop  }
0x3b: {  	_ = 	snop  }
0x3c: {  	p2 =	seq.s32 s10, $0x1;
	s10 =	sld [smem:$0x3FAC]  }
0x3d: {  	_ =	shalt  }
0x3e: {  	_ =	shalt  }
0x3f: {  	_ =	shalt  }
0x40: {  	_ =	shalt  }
0x41: {  	_ =	shalt  }
0x42: {  	_ =	shalt  }
0x43: {  	_ =	shalt  }
0x44: {  	_ =	shalt  }
0x45: {  	_ =	shalt  }
0x46: {  	_ =	shalt  }
0x47: {  	_ =	shalt  }
0x48: {  	_ =	shalt  }
0x49: {  	_ =	shalt  }
0x4a: {  	_ =	shalt  }
0x4b: {  	_ =	shalt  }
0x4c: {  	_ =	shalt  }
0x4d: {  	_ =	shalt  }
0x4e: {  	_ =	shalt  }
0x4f: {  	_ =	shalt  }
0x50: {  	_ =	shalt  }
0x51: {  	_ =	shalt  }
0x52: {  	_ =	shalt  }
0x53: {  	_ =	shalt  }
0x54: {  	_ =	shalt  }
0x55: {  	_ =	shalt  }
0x56: {  	_ =	shalt  }
0x57: {  	_ =	shalt  }
0x58: {  	_ =	shalt  }
0x59: {  	_ =	shalt  }
0x5a: {  	_ =	shalt  }
0x5b: {  	_ =	shalt  }
0x5c: {  	_ =	shalt  }
0x5d: {  	_ =	shalt  }
0x5e: {  	_ =	shalt  }
0x5f: {  	_ =	shalt  }
0x60: {  	_ =	shalt  }
0x61: {  	_ =	shalt  }
0x62: {  	_ =	shalt  }
0x63: {  	_ =	shalt  }
0x64: {  	_ =	shalt  }
0x65: {  	_ =	shalt  }
0x66: {  	_ =	shalt  }
0x67: {  	_ =	shalt  }
0x68: {  	_ =	shalt  }
0x69: {  	_ =	shalt  }
0x6a: {  	_ =	shalt  }
0x6b: {  	_ =	shalt  }
0x6c: {  	_ =	shalt  }
0x6d: {  	_ =	shalt  }
0x6e: {  	_ =	shalt  }
0x6f: {  	_ =	shalt  }
0x70: {  	_ =	shalt  }
0x71: {  	_ =	shalt  }
0x72: {  	_ =	shalt  }
0x73: {  	_ =	shalt  }
0x74: {  	_ =	shalt  }
0x75: {  	_ =	shalt  }
0x76: {  	_ =	shalt  }
0x77: {  	_ =	shalt  }
0x78: {  	_ =	shalt  }
0x79: {  	_ =	shalt  }
0x7a: {  	_ =	shalt  }
0x7b: {  	_ =	shalt  }
0x7c: {  	_ =	shalt  }
0x7d: {  	_ =	shalt  }
0x7e: {  	_ =	shalt  }
0x7f: {  	_ =	shalt  }
0x80: {  	_ =	shalt  }
0x81: {  	_ =	shalt  }
0x82: {  	_ =	shalt  }
0x83: {  	_ =	shalt  }
0x84: {  	_ =	shalt  }
0x85: {  	_ =	shalt  }
0x86: {  	_ =	shalt  }
0x87: {  	_ =	shalt  }
.Lfunc_end0:
.L_simem_size_0:
called_computation.3_lowered:
.L_overlay_start_0:
0x88: {  	s2 =	sld [smem:$0x3FD9]  }
0x89: {  	s3 =	sld [smem:$0x3FFE];
	_ =	sdelay $0x1  }
0x8a: {  	s1 =	srdreg.scid  }
0x8b: {  	s0 =	sand.u32 $0x1, s1  }
0x8c: {  	s14 =	sshll.u32 s0, $0xA;
	s2 =	sadd.s32 s3, s2  }
0x8d: {  	s2 =	sadd.s32 s2, s14  }
0x8e: {  	[smem:$0x3FB8] =	sst s2  }
0x8f: {  	_ = 	snop  }
0x90: {  	s2 =	sld [smem:$0x3FD0];
	_ =	sdelay $0x2  }
0x91: {  	s15 =	simm.s32 $0xA;
	s4 =	simm.s32 $0x10  }
0x92: {  	[smem:s4], [sflag:s15] =	dma.local [hbm:s2], $0x1  }
0x93: {  	_ =	swait.eq [sflag:s15], $0x1  }
0x94: {  	[sflag:s15] =	ssyncset.done $0x0  }
0x95: {  	s16 =	sld [smem:$0x10];
	[sflag:s15] =	ssyncadd.s32 $0xFFFFFFFF  }
0x96: {  	s17 =	sld [smem:$0x11];
	(tm) =	ssettm $0x1  }
0x97: {  	s18 =	sld [smem:$0x3FFB];
	_ =	sdelay $0x3  }
0x98: {  	_ =	strace s18  }
0x99: {  	s4 =	sld [smem:$0x3FFC];
	_ =	sdelay $0x3  }
0x9a: {  	_ =	strace s4  }
0x9b: {  	s4 =	sld [smem:$0x3FFD];
	_ =	sdelay $0x3  }
0x9c: {  	_ =	strace s4  }
0x9d: {  	_ =	strace $0x8FFFFFFF  }
0x9e: {  	s19 =	sld [smem:$0x3FDB];
	_ =	sdelay $0x1  }
0x9f: {  	s5 =	simm.s32 $_scs_section_size  }
0xa0: {  	s6 =	simm.s32 $_size__tile_overlayer_lowered;
	s7 =	simm.s32 $_tile_overlayer_lowered  }
0xa1: {  	s22 =	simm.s32 $0x1BFF;
	s21 =	sshll.u32 s7, $0x1;
	s4 =	sadd.s32 s5, s19  }
0xa2: {  	s8 =	simm.s32 $0x0;
	s20 =	sshll.u32 s6, $0x1;
	s6 =	sadd.s32 s21, s4  }
0xa3: {  	[timem:s8], [sflag:s22] =	dma.local [hbm:s6], s20  }
0xa4: {  	_ =	swait.ge [sflag:s22], s20  }
0xa5: {  	s5 =	ssub.s32 $0x0, s20;
	[sflag:s22] =	ssyncset.done $0x0  }
0xa6: {  	[sflag:s22] =	ssyncadd.s32 s5;
	_ =	sdelay $0x1  }
0xa7: {  	s23 =	simm.s32 $0x1B8B  }
0xa8: {  	_ =	swait.ge [sflag:s23], $0x1  }
0xa9: {  	[sflag:s23] =	ssyncset.done $0x0  }
0xaa: {  	s25 =	simm.s32 $0x1B8E;
	s24 =	sld [smem:$0x3FFE];
	[sflag:s23] =	ssyncadd.s32 $0xFFFFFFFF  }
0xab: {  	s26 =	simm.s32 $execute0_lowered;
	[smem:$0x3FD2] =	sst s25  }
0xac: {  	s6 =	sshll.u32 s26, $0x1;
	_ =	strace $0x8000004F;
	[dreg:$0x1] =	wrdreg $0xFFFFFFFF  }
0xad: {  	s28 =	simm.s32 $_size_execute0_lowered;
	s4 =	sadd.s32 s4, s6;
	[dreg:$0x0] =	wrdreg $0x0  }
0xae: {  	s6 =	sshll.u32 s28, $0x1;
	[dreg:$0x2] =	wrdreg s4  }
0xaf: {  	[dreg:$0x3] =	wrdreg s6  }
0xb0: {  	[dreg:$0x4] =	wrdreg $0xC0  }
0xb1: {  	_ =	task [dreg:s8], $0x5FFFF  }
0xb2: {  	[dreg:$0x1] =	wrdreg $0xFFFFFFFF  }
0xb3: {  	[dreg:$0x0] =	wrdreg $0x60  }
0xb4: {  	[dreg:$0x2] =	wrdreg s16  }
0xb5: {  	[dreg:$0x3] =	wrdreg s17  }
0xb6: {  	[dreg:$0x4] =	wrdreg s24  }
0xb7: {  	[dreg:$0x5] =	wrdreg $0x98000  }
0xb8: {  	[dreg:$0x6] =	wrdreg $0x9  }
0xb9: {  	_ =	task.clear_ibuf [dreg:s8], $0x7FFFF;
	_ =	strace $0x9000004F  }
0xba: {  	s29 =	simm.s32 $0x9;
	_ =	strace $0x80000051  }
0xbb: {  	_ =	swait.ge [sflag:s29], $0x1  }
0xbc: {  	[sflag:s29] =	ssyncadd.s32 $0xFFFFFFFF  }
0xbd: {  	_ =	strace $0x90000051  }
0xbe: {  	_ =	sfence  }
0xbf: {  	s30 =	sld [smem:$0x0];
	_ =	sdelay $0x2  }
0xc0: {  	s31 =	sshll.u32 s1, $0xD;
	s1 =	sshrl.u32 s1, $0x2  }
0xc1: {  	s3 =	sand.u32 $0x4000, s31;
	s1 =	sadd.s32 s1, s30  }
0xc2: {  	s0 =	sor.u32 s3, s0;
	s1 =	sshll.u32 s1, $0x11  }
0xc3: {  	s0 =	sor.u32 s1, s0  }
0xc4: {  	s0 =	sadd.s32 $0x8F2B, s0  }
0xc5: {  	[sflag:s0] =	ssyncadd.remote.s32 $0x1  }
0xc6: {  	_ =	sfence.sel $0xFFFF  }
0xc7: {  	[dreg:$0x0] =	wrdreg $0xFFFFFFFF;
	(pc) =	sbr.abs _section_cstart, $3  }
0xc8: {  	[dreg:$0x1] =	wrdreg $0xFFFFFFFF  }
0xc9: {  	_ =	task.clear_ibuf [dreg:s8], $0x2FFFF;
	_ =	strace $0x9FFFFFFF  }
0xca: {  	(tm) =	ssettm $0x7FFFFFFF  }
0xcb: {  	_ =	shalt  }
tec
execute0_lowered:
.L_overlay_start_1:
0x0: {  	(tag) =	ssettag $0x1  }
0x1: {  	s0 =	rddreg [dreg:$0x0]  }
0x2: {  	s5 =	rddreg [dreg:$0x1]  }
0x3: {  	s1 =	srdreg.scid;
	s7 =	rddreg [dreg:$0x2]  }
0x4: {  	s3 =	rddreg [dreg:$0x3];
	s4 =	simm.s32 $0x0;
	s15 =	simm.s32 $0x5800  }
0x5: {  	s16 =	simm.s32 $0x1;
	s6 =	sand.u32 $0x1, s1;
	s1 =	stileid.u32  }
0x6: {  	s17 =	simm.s32 $0x0;
	[smem:$0x7FF] =	sst s4;
	s9 =	smul.u32 $0x2800, s1  }
0x7: {  	s2 =	sshll.u32 s6, $0x4;
	s10 =	smul.u32 $0x28000, s6;
	s6 =	ssub.s32 $0x2, s6  }
0x8: {  	s12 =	smul.u32 $0x50000, s1;
	s31 =	sshll.u32 s1, $0x6;
	s8 =	sor.u32 s1, s2  }
0x9: {  	s2 =	rddreg [dreg:$0x4];
	_ =	strace $0x80000050;
	s29 =	sshrl.u32 s6, $0x1  }
0xa: {  	s8 =	smul.u32 $0x580, s8;
	s13 =	sadd.s32 s9, s7;
	s9 =	sadd.s32 s9, s10  }
0xb: {  	s10 =	ssub.s32 s6, s29;
	s30 =	sshrl.u32 s12, $0x2;
	s12 =	sor.u32 $0x1C02, s31  }
0xc: {  	s9 =	sadd.s32 s9, s7;
	s14 =	sadd.s32 s30, s3;
	s11 =	sadd.s32 s8, s7  }
0xd: {  	s5 =	sadd.s32 s5, s8;
	s7 =	sadd.s32 $0x19000, s13;
	s8 =	sadd.s32 $0x41000, s9  }
0xe: {  	s9 =	smax.u32 s10, $0x1;
	s10 =	simm.s32 $0x2;
	s13 =	sshrl.u32 s14, $0x3  }
0xf: {  	s14 =	simm.s32 $0x80;
	s6 =	sadd.s32 $0xE000, s11;
	s11 =	simm.s32 $0x2C00  }
.LBB2_1:
0x10: {  	[tilespmem:s4], [sflag:$0x2] =	stream.linear.gather [hbm4b:s5+s4], $0x2900, $0x38;
	[tilespmem:$0x1D800] =	vst v63  }
0x11: {  	_ =	swait.ge [sflag:s10], $0x2900  }
0x12: {  	[sflag:s10] =	ssyncset.done $0x0  }
0x13: {  	[sflag:s10] =	ssyncadd.s32 $0xFFFFD700  }
0x14: {  	[tilespmem:s11], [sflag:$0x2] =	stream.linear.gather [hbm4b:s6+s4], $0x2900, $0x38;
	[tilespmem:$0x1D800] =	vst v63  }
0x15: {  	_ =	swait.ge [sflag:s10], $0x2900  }
0x16: {  	[sflag:s10] =	ssyncset.done $0x0  }
0x17: {  	[sflag:s10] =	ssyncadd.s32 $0xFFFFD700  }
0x18: {  	[spmem:s13], [sflag:s12] =	dma.local [hbm:s7], $0x2800  }
0x19: {  	_ =	swait.ge [sflag:s10], $0x2800  }
0x1a: {  	[sflag:s10] =	ssyncset.done $0x0  }
0x1b: {  	[sflag:s10] =	ssyncadd.s32 $0xFFFFD800  }
0x1c: {  	s18 =	simm.s32 $0x0;
	[bflag:$0x0] =	sbarrier.arrive $0xFFFF  }
0x1d: {  	[tilespmem:s15], [sflag:$0x1] =	stream.indirect.gather [hbm4b:s0+s14], $0x80, s18, s14, $0xb8;
	[tilespmem:$0x1D800] =	vst v63  }
0x1e: {  	_ =	swait.ge [sflag:s16], $0x4000  }
0x1f: {  	[sflag:s16] =	ssyncset.done $0x0  }
0x20: {  	s31 =	simm.s32 $0x2C00;
	[sflag:s16] =	ssyncadd.s32 $0xFFFFC000  }
0x21: {  	[spmem:s3] =	stream.indirect.scatter.add.f32 [tilespmem:s15], [sflag:$0x2], $0x80, s31, s14, $0xb8;
	[tilespmem:$0x1D800] =	vst v63  }
0x22: {  	_ =	swait.ge [sflag:s10], $0x4000  }
0x23: {  	s19 =	simm.s32 $0x400;
	s18 =	simm.s32 $0x200;
	[sflag:s10] =	ssyncset.done $0x0  }
.LBB2_2:
0x24: {  	s20 =	sshra.s32 s18, $0x2  }
0x25: {  	[sflag:s10] =	ssyncadd.s32 $0xFFFFC000;
	s18 =	smov.u32 s19;
	s21 =	sadd.s32 $0x200, s19  }
0x26: {  	[tilespmem:s15], [sflag:$0x1] =	stream.indirect.gather [hbm4b:s0+s14], $0x80, s20, s14, $0xb8;
	[tilespmem:$0x1D800] =	vst v63  }
0x27: {  	p0 =	sne.s32 s19, $0xA200;
	_ =	swait.ge [sflag:s16], $0x4000  }
.Ltmp0:
0x28: {  	[sflag:s16] =	ssyncset.done $0x0;
	(pc) =	sbr.rel @p0 .LBB2_2-.Ltmp0, $4  }
0x29: {  	s19 =	sadd.s32 $0x2C00, s20;
	[sflag:s16] =	ssyncadd.s32 $0xFFFFC000  }
0x2a: {  	[spmem:s3] =	stream.indirect.scatter.add.f32 [tilespmem:s15], [sflag:$0x2], $0x80, s19, s14, $0xb8;
	[tilespmem:$0x1D800] =	vst v63  }
0x2b: {  	_ =	swait.ge [sflag:s10], $0x4000  }
0x2c: {  	s19 =	smov.u32 s21;
	[sflag:s10] =	ssyncset.done $0x0  }
0x2d: {  	s18 =	sshra.s32 s18, $0x2;
	[sflag:s10] =	ssyncadd.s32 $0xFFFFC000  }
0x2e: {  	[tilespmem:s15], [sflag:$0x1] =	stream.indirect.gather [hbm4b:s0+s14], $0x80, s18, s14, $0xb8;
	[tilespmem:$0x1D800] =	vst v63  }
0x2f: {  	_ =	swait.ge [sflag:s16], $0x4000  }
0x30: {  	[sflag:s16] =	ssyncset.done $0x0  }
0x31: {  	s18 =	sadd.s32 $0x2C00, s18;
	[sflag:s16] =	ssyncadd.s32 $0xFFFFC000  }
0x32: {  	[spmem:s3] =	stream.indirect.scatter.add.f32 [tilespmem:s15], [sflag:$0x2], $0x80, s18, s14, $0xb8;
	[tilespmem:$0x1D800] =	vst v63  }
0x33: {  	_ =	swait.ge [sflag:s10], $0x4000  }
0x34: {  	s17 =	sadd.s32 $0x1, s17;
	[sflag:s10] =	ssyncset.done $0x0  }
0x35: {  	p0 =	sne.s32 s17, s9;
	[sflag:s10] =	ssyncadd.s32 $0xFFFFC000  }
.Ltmp1:
0x36: {  	[bflag:$0x0] =	sbarrier.arrive $0xFFFF;
	(pc) =	sbr.rel @p0 .LBB2_1-.Ltmp1, $4  }
0x37: {  	[hbm:s8], [sflag:s12] =	dma.local [spmem:s13], $0x2800  }
0x38: {  	_ =	swait.ge [sflag:s10], $0x2800  }
0x39: {  	[sflag:s10] =	ssyncset.done $0x0  }
0x3a: {  	[sflag:s10] =	ssyncadd.s32 $0xFFFFD800  }
0x3b: {  	_ =	sfence.sel $0x180000  }
0x3c: {  	[bflag:$0x0] =	sbarrier.arrive $0xFFFF  }
0x3d: {  	p0 =	sne.s32 s1, $0x0;
	_ =	strace $0x90000050  }
0x3e: {  	s0 =	sadd.s32 @!p0 $0x100000, s2;
	[bflag:$0x2] =	sbarrier.arrive $0xFFFF  }
0x3f: {  	[sflag:s0] =	ssyncadd.tile.s32 @!p0 $0x1;
	_ =	shalt  }
.Lfunc_end2:
_tile_overlayer_lowered:
.L_overlay_start_2:
0x40: {  	(tag) =	ssettag $0x2  }
0x41: {  	s0 =	rddreg [dreg:$0x0];
	s2 =	stileid.u32  }
0x42: {  	s1 =	rddreg [dreg:$0x1];
	p0 =	sne.s32 s2, $0x0  }
0x43: {  	s3 =	rddreg [dreg:$0x2];
	[bflag:$0x3] =	sbarrier.arrive $0xFFFF;
	s2 =	simm.s32 @!p0 $0x1C02  }
0x44: {  	[timem:s3], [sflag:s2] =	dma.local @!p0 [hbm:s0], s1  }
0x45: {  	s0 =	simm.s32 @!p0 $0x2  }
0x46: {  	_ =	swait.ge @!p0 [sflag:s0], s1  }
0x47: {  	s1 =	ssub.s32 @!p0 $0x0, s1;
	[sflag:s0] =	ssyncset.done @!p0 $0x0  }
0x48: {  	[sflag:s0] =	ssyncadd.s32 @!p0 s1  }
0x49: {  	[bflag:$0x3] =	sbarrier.arrive $0xFFFF  }
0x4a: {  	_ =	shalt  }

</sc_bundles>
